<compile_context>
chip_gen: v7x
topology: tpu7x:2x2x1
jax: 0.10.2.dev20260603
libtpu: 0.0.44.dev20260713+nightly
codegen_flags: <defaults>
</compile_context>

<pallas_src>
import functools
from itertools import combinations

import jax
import jax.numpy as jnp
from jax import lax
from jax.experimental import pallas as pl
from jax.experimental.pallas import tpu as pltpu
from jax.experimental.pallas import tpu_sc as plsc

NUM_CLASSES = 7
MAX_SET_SIZE = 2

_SETS = [()]
for _sz in range(1, MAX_SET_SIZE + 1):
    _SETS.extend(combinations(range(NUM_CLASSES), _sz))
NPC = len(_SETS)
_MEMBERS = tuple(
    tuple(k for k, s in enumerate(_SETS) if c in s) for c in range(NUM_CLASSES)
)

L = 16


def _make_sc_kernel(b, f):
    info = plsc.get_sparse_core_info()
    nc, ns = info.num_cores, info.num_subcores
    nw = nc * ns
    assert b == nw, (b, nw)
    groups = f // L
    mesh = plsc.VectorSubcoreMesh(core_axis_name="c", subcore_axis_name="s")

    @functools.partial(
        pl.kernel,
        mesh=mesh,
        out_type=jax.ShapeDtypeStruct((b, f, NUM_CLASSES), jnp.float32),
        scratch_types=[
            pltpu.VMEM((f, NPC), jnp.float32),
            pltpu.VMEM((f, NUM_CLASSES), jnp.float32),
        ],
        compiler_params=pltpu.CompilerParams(
            needs_layout_passes=False, use_tc_tiling_on_sc=False
        ),
    )
    def k(x_hbm, out_hbm, x_v, out_v):
        wid = lax.axis_index("s") * nc + lax.axis_index("c")
        pltpu.sync_copy(x_hbm.at[wid], x_v)

        lane = lax.iota(jnp.int32, L)

        @plsc.parallel_loop(0, groups, unroll=4)
        def body(g):
            rows = g * L + lane
            cols = [jnp.full((L,), k, jnp.int32) for k in range(NPC)]
            e = [jnp.exp(plsc.load_gather(x_v, [rows, cols[k]])) for k in range(NPC)]
            inv = 1.0 / functools.reduce(jnp.add, e)
            for c in range(NUM_CLASSES):
                acc = functools.reduce(jnp.add, [e[k] for k in _MEMBERS[c]])
                plsc.store_scatter(
                    out_v, [rows, jnp.full((L,), c, jnp.int32)], acc * inv
                )

        pltpu.sync_copy(out_v, out_hbm.at[wid])

    return k


@jax.jit
def kernel(powerset, mapping_matrix):
    b, f, npc = powerset.shape
    return _make_sc_kernel(b, f)(powerset)

# --- scband reference (transcript-rebuilt; emitter-appended) ---
"""Pipeline reference for scband-powerset-8469675507714 (READ-ONLY COPY).

The authoritative reference and input builder live on the scoring server;
editing this copy changes nothing except your own understanding.
"""

import jax, jax.numpy as jnp
import numpy as np
from itertools import combinations

NUM_CLASSES = 7
MAX_SET_SIZE = 2

def _build_mapping_matrix():
    mapping = [()]
    for set_size in range(1, MAX_SET_SIZE + 1):
        for speakers in combinations(range(NUM_CLASSES), set_size):
            mapping.append(speakers)
    num_powerset_classes = len(mapping)
    mat = np.zeros((num_powerset_classes, NUM_CLASSES), dtype=np.float32)
    for k, val in enumerate(mapping):
        for v in val:
            mat[k, v] = 1.0
    return mat


def setup_inputs(seed: int = 0) -> dict:
    key = jax.random.key(seed)
    mapping_matrix = jnp.asarray(_build_mapping_matrix())  # (29, 7)
    num_powerset_classes = mapping_matrix.shape[0]
    powerset = jax.random.normal(key, (32, 2048, num_powerset_classes), dtype=jnp.float32)
    return {"powerset": powerset, "mapping_matrix": mapping_matrix}


def reference(powerset, mapping_matrix):
    # Faithful translation of Powerset.to_multilabel for float (probabilistic) input:
    # input is logits over powerset classes -> softmax -> matmul with 0/1 mapping matrix
    num_powerset_classes = mapping_matrix.shape[0]
    if powerset.shape[-1] == num_powerset_classes:
        powerset_probs = jax.nn.softmax(powerset, axis=-1)
    else:
        powerset_probs = powerset
    multilabel = jnp.matmul(powerset_probs, mapping_matrix)  # (B, F, num_classes)
    return multilabel

if __name__ == "__main__":
    import jax
    _d = setup_inputs()
    print(jax.jit(kernel)(*tuple(_d.values())))

</pallas_src>

<mosaic_0001>
#map = affine_map<(d0, d1) -> (0, 0, 0)>
module attributes {stable_mosaic.version = 14 : i64} {
  func.func @k(%arg0: i32, %arg1: i32, %arg2: memref<32x2048x29xf32, #tpu.memory_space<hbm>>, %arg3: memref<32x2048x7xf32, #tpu.memory_space<hbm>>, %arg4: memref<2048x29xf32, #tpu.memory_space<vmem>>, %arg5: memref<2048x7xf32, #tpu.memory_space<vmem>>) attributes {dimension_semantics = [#tpu.dimension_semantics<core_parallel>, #tpu.dimension_semantics<subcore_parallel>], iteration_bounds = array<i64: 2, 16>, scalar_prefetch = 0 : i64, scratch_operands = 2 : i64, tpu.core_type = #tpu.core_type<sc_vector_subcore>, window_params = [{transform_indices = #map}, {transform_indices = #map}]} {
    %mul3A = arith.constant 2 : i32
    %mul3A_0 = arith.muli %arg1, %mul3A : i32
    %add3A = arith.addi %mul3A_0, %arg0 : i32
    "tpu.region"() ({
      %run_scoped3A = tpu.sem_alloc : memref<!tpu.dma_semaphore, #tpu.memory_space<semaphore_mem>>
      %dma_start3A = arith.constant 0 : i32
      %dma_start3A_3 = arith.constant 0 : i32
      %dma_start3A_4 = tpu.memref_slice %arg2[%add3A, %dma_start3A, %dma_start3A_3] : memref<32x2048x29xf32, #tpu.memory_space<hbm>> -> memref<1x2048x29xf32, #tpu.memory_space<hbm>>
      %dma_start3A_5 = tpu.memref_squeeze %dma_start3A_4 : memref<1x2048x29xf32, #tpu.memory_space<hbm>> -> memref<2048x29xf32, #tpu.memory_space<hbm>>
      %dma_start3A_6 = arith.constant 0 : i32
      %dma_start3A_7 = arith.constant 0 : i32
      %dma_start3A_8 = tpu.memref_slice %arg2[%add3A, %dma_start3A_6, %dma_start3A_7] : memref<32x2048x29xf32, #tpu.memory_space<hbm>> -> memref<1x2048x29xf32, #tpu.memory_space<hbm>>
      %dma_start3A_9 = tpu.memref_squeeze %dma_start3A_8 : memref<1x2048x29xf32, #tpu.memory_space<hbm>> -> memref<2048x29xf32, #tpu.memory_space<hbm>>
      tpu.enqueue_dma source(%dma_start3A_9 : memref<2048x29xf32, #tpu.memory_space<hbm>>) target(%arg4 : memref<2048x29xf32, #tpu.memory_space<vmem>>) target_semaphore(%run_scoped3A : memref<!tpu.dma_semaphore, #tpu.memory_space<semaphore_mem>>)
      %dma_wait3A = arith.constant 0 : i32
      %dma_wait3A_10 = arith.constant 0 : i32
      %dma_wait3A_11 = tpu.memref_slice %arg2[%add3A, %dma_wait3A, %dma_wait3A_10] : memref<32x2048x29xf32, #tpu.memory_space<hbm>> -> memref<1x2048x29xf32, #tpu.memory_space<hbm>>
      %dma_wait3A_12 = tpu.memref_squeeze %dma_wait3A_11 : memref<1x2048x29xf32, #tpu.memory_space<hbm>> -> memref<2048x29xf32, #tpu.memory_space<hbm>>
      %dma_wait3A_13 = arith.constant 0 : i32
      %dma_wait3A_14 = arith.constant 0 : i32
      %dma_wait3A_15 = tpu.memref_slice %arg2[%add3A, %dma_wait3A_13, %dma_wait3A_14] : memref<32x2048x29xf32, #tpu.memory_space<hbm>> -> memref<1x2048x29xf32, #tpu.memory_space<hbm>>
      %dma_wait3A_16 = tpu.memref_squeeze %dma_wait3A_15 : memref<1x2048x29xf32, #tpu.memory_space<hbm>> -> memref<2048x29xf32, #tpu.memory_space<hbm>>
      tpu.wait_dma2 semaphore(%run_scoped3A : memref<!tpu.dma_semaphore, #tpu.memory_space<semaphore_mem>>) src(%dma_wait3A_16 : memref<2048x29xf32, #tpu.memory_space<hbm>>) dst(%arg4 : memref<2048x29xf32, #tpu.memory_space<vmem>>)
      tpu.yield
    }) : () -> ()
    %iota3A = tpu.iota {dimensions = array<i32: 0>} : vector<16xi32>
    %parallel_loop3A = arith.constant 0 : i32
    %parallel_loop3A_1 = arith.constant 128 : i32
    %parallel_loop3A_2 = arith.constant 1 : i32
    scf.for %parallel_loop3A_3 = %parallel_loop3A to %parallel_loop3A_1 step %parallel_loop3A_2  : i32 {
      %parallel_loop3A_4 = arith.constant 16 : i32
      %parallel_loop3A_5 = arith.muli %parallel_loop3A_3, %parallel_loop3A_4 : i32
      %parallel_loop3A_6 = vector.broadcast %parallel_loop3A_5 : i32 to vector<16xi32>
      %parallel_loop3A_7 = arith.addi %parallel_loop3A_6, %iota3A : vector<16xi32>
      %parallel_loop3A_8 = arith.constant 0 : i32
      %parallel_loop3A_9 = vector.broadcast %parallel_loop3A_8 : i32 to vector<16xi32>
      %parallel_loop3A_10 = arith.constant 1 : i32
      %parallel_loop3A_11 = vector.broadcast %parallel_loop3A_10 : i32 to vector<16xi32>
      %parallel_loop3A_12 = arith.constant 2 : i32
      %parallel_loop3A_13 = vector.broadcast %parallel_loop3A_12 : i32 to vector<16xi32>
      %parallel_loop3A_14 = arith.constant 3 : i32
      %parallel_loop3A_15 = vector.broadcast %parallel_loop3A_14 : i32 to vector<16xi32>
      %parallel_loop3A_16 = arith.constant 4 : i32
      %parallel_loop3A_17 = vector.broadcast %parallel_loop3A_16 : i32 to vector<16xi32>
      %parallel_loop3A_18 = arith.constant 5 : i32
      %parallel_loop3A_19 = vector.broadcast %parallel_loop3A_18 : i32 to vector<16xi32>
      %parallel_loop3A_20 = arith.constant 6 : i32
      %parallel_loop3A_21 = vector.broadcast %parallel_loop3A_20 : i32 to vector<16xi32>
      %parallel_loop3A_22 = arith.constant 7 : i32
      %parallel_loop3A_23 = vector.broadcast %parallel_loop3A_22 : i32 to vector<16xi32>
      %parallel_loop3A_24 = arith.constant 8 : i32
      %parallel_loop3A_25 = vector.broadcast %parallel_loop3A_24 : i32 to vector<16xi32>
      %parallel_loop3A_26 = arith.constant 9 : i32
      %parallel_loop3A_27 = vector.broadcast %parallel_loop3A_26 : i32 to vector<16xi32>
      %parallel_loop3A_28 = arith.constant 10 : i32
      %parallel_loop3A_29 = vector.broadcast %parallel_loop3A_28 : i32 to vector<16xi32>
      %parallel_loop3A_30 = arith.constant 11 : i32
      %parallel_loop3A_31 = vector.broadcast %parallel_loop3A_30 : i32 to vector<16xi32>
      %parallel_loop3A_32 = arith.constant 12 : i32
      %parallel_loop3A_33 = vector.broadcast %parallel_loop3A_32 : i32 to vector<16xi32>
      %parallel_loop3A_34 = arith.constant 13 : i32
      %parallel_loop3A_35 = vector.broadcast %parallel_loop3A_34 : i32 to vector<16xi32>
      %parallel_loop3A_36 = arith.constant 14 : i32
      %parallel_loop3A_37 = vector.broadcast %parallel_loop3A_36 : i32 to vector<16xi32>
      %parallel_loop3A_38 = arith.constant 15 : i32
      %parallel_loop3A_39 = vector.broadcast %parallel_loop3A_38 : i32 to vector<16xi32>
      %parallel_loop3A_40 = arith.constant 16 : i32
      %parallel_loop3A_41 = vector.broadcast %parallel_loop3A_40 : i32 to vector<16xi32>
      %parallel_loop3A_42 = arith.constant 17 : i32
      %parallel_loop3A_43 = vector.broadcast %parallel_loop3A_42 : i32 to vector<16xi32>
      %parallel_loop3A_44 = arith.constant 18 : i32
      %parallel_loop3A_45 = vector.broadcast %parallel_loop3A_44 : i32 to vector<16xi32>
      %parallel_loop3A_46 = arith.constant 19 : i32
      %parallel_loop3A_47 = vector.broadcast %parallel_loop3A_46 : i32 to vector<16xi32>
      %parallel_loop3A_48 = arith.constant 20 : i32
      %parallel_loop3A_49 = vector.broadcast %parallel_loop3A_48 : i32 to vector<16xi32>
      %parallel_loop3A_50 = arith.constant 21 : i32
      %parallel_loop3A_51 = vector.broadcast %parallel_loop3A_50 : i32 to vector<16xi32>
      %parallel_loop3A_52 = arith.constant 22 : i32
      %parallel_loop3A_53 = vector.broadcast %parallel_loop3A_52 : i32 to vector<16xi32>
      %parallel_loop3A_54 = arith.constant 23 : i32
      %parallel_loop3A_55 = vector.broadcast %parallel_loop3A_54 : i32 to vector<16xi32>
      %parallel_loop3A_56 = arith.constant 24 : i32
      %parallel_loop3A_57 = vector.broadcast %parallel_loop3A_56 : i32 to vector<16xi32>
      %parallel_loop3A_58 = arith.constant 25 : i32
      %parallel_loop3A_59 = vector.broadcast %parallel_loop3A_58 : i32 to vector<16xi32>
      %parallel_loop3A_60 = arith.constant 26 : i32
      %parallel_loop3A_61 = vector.broadcast %parallel_loop3A_60 : i32 to vector<16xi32>
      %parallel_loop3A_62 = arith.constant 27 : i32
      %parallel_loop3A_63 = vector.broadcast %parallel_loop3A_62 : i32 to vector<16xi32>
      %parallel_loop3A_64 = arith.constant 28 : i32
      %parallel_loop3A_65 = vector.broadcast %parallel_loop3A_64 : i32 to vector<16xi32>
      %parallel_loop3A_66 = tpu.vector_load_idx %arg4[%parallel_loop3A_7, %parallel_loop3A_9] : memref<2048x29xf32, #tpu.memory_space<vmem>>[vector<16xi32>, vector<16xi32>], vector<16xf32>,
      %parallel_loop3A_67 = math.exp %parallel_loop3A_66 : vector<16xf32>
      %parallel_loop3A_68 = tpu.vector_load_idx %arg4[%parallel_loop3A_7, %parallel_loop3A_11] : memref<2048x29xf32, #tpu.memory_space<vmem>>[vector<16xi32>, vector<16xi32>], vector<16xf32>,
      %parallel_loop3A_69 = math.exp %parallel_loop3A_68 : vector<16xf32>
      %parallel_loop3A_70 = tpu.vector_load_idx %arg4[%parallel_loop3A_7, %parallel_loop3A_13] : memref<2048x29xf32, #tpu.memory_space<vmem>>[vector<16xi32>, vector<16xi32>], vector<16xf32>,
      %parallel_loop3A_71 = math.exp %parallel_loop3A_70 : vector<16xf32>
      %parallel_loop3A_72 = tpu.vector_load_idx %arg4[%parallel_loop3A_7, %parallel_loop3A_15] : memref<2048x29xf32, #tpu.memory_space<vmem>>[vector<16xi32>, vector<16xi32>], vector<16xf32>,
      %parallel_loop3A_73 = math.exp %parallel_loop3A_72 : vector<16xf32>
      %parallel_loop3A_74 = tpu.vector_load_idx %arg4[%parallel_loop3A_7, %parallel_loop3A_17] : memref<2048x29xf32, #tpu.memory_space<vmem>>[vector<16xi32>, vector<16xi32>], vector<16xf32>,
      %parallel_loop3A_75 = math.exp %parallel_loop3A_74 : vector<16xf32>
      %parallel_loop3A_76 = tpu.vector_load_idx %arg4[%parallel_loop3A_7, %parallel_loop3A_19] : memref<2048x29xf32, #tpu.memory_space<vmem>>[vector<16xi32>, vector<16xi32>], vector<16xf32>,
      %parallel_loop3A_77 = math.exp %parallel_loop3A_76 : vector<16xf32>
      %parallel_loop3A_78 = tpu.vector_load_idx %arg4[%parallel_loop3A_7, %parallel_loop3A_21] : memref<2048x29xf32, #tpu.memory_space<vmem>>[vector<16xi32>, vector<16xi32>], vector<16xf32>,
      %parallel_loop3A_79 = math.exp %parallel_loop3A_78 : vector<16xf32>
      %parallel_loop3A_80 = tpu.vector_load_idx %arg4[%parallel_loop3A_7, %parallel_loop3A_23] : memref<2048x29xf32, #tpu.memory_space<vmem>>[vector<16xi32>, vector<16xi32>], vector<16xf32>,
      %parallel_loop3A_81 = math.exp %parallel_loop3A_80 : vector<16xf32>
      %parallel_loop3A_82 = tpu.vector_load_idx %arg4[%parallel_loop3A_7, %parallel_loop3A_25] : memref<2048x29xf32, #tpu.memory_space<vmem>>[vector<16xi32>, vector<16xi32>], vector<16xf32>,
      %parallel_loop3A_83 = math.exp %parallel_loop3A_82 : vector<16xf32>
      %parallel_loop3A_84 = tpu.vector_load_idx %arg4[%parallel_loop3A_7, %parallel_loop3A_27] : memref<2048x29xf32, #tpu.memory_space<vmem>>[vector<16xi32>, vector<16xi32>], vector<16xf32>,
      %parallel_loop3A_85 = math.exp %parallel_loop3A_84 : vector<16xf32>
      %parallel_loop3A_86 = tpu.vector_load_idx %arg4[%parallel_loop3A_7, %parallel_loop3A_29] : memref<2048x29xf32, #tpu.memory_space<vmem>>[vector<16xi32>, vector<16xi32>], vector<16xf32>,
      %parallel_loop3A_87 = math.exp %parallel_loop3A_86 : vector<16xf32>
      %parallel_loop3A_88 = tpu.vector_load_idx %arg4[%parallel_loop3A_7, %parallel_loop3A_31] : memref<2048x29xf32, #tpu.memory_space<vmem>>[vector<16xi32>, vector<16xi32>], vector<16xf32>,
      %parallel_loop3A_89 = math.exp %parallel_loop3A_88 : vector<16xf32>
      %parallel_loop3A_90 = tpu.vector_load_idx %arg4[%parallel_loop3A_7, %parallel_loop3A_33] : memref<2048x29xf32, #tpu.memory_space<vmem>>[vector<16xi32>, vector<16xi32>], vector<16xf32>,
      %parallel_loop3A_91 = math.exp %parallel_loop3A_90 : vector<16xf32>
      %parallel_loop3A_92 = tpu.vector_load_idx %arg4[%parallel_loop3A_7, %parallel_loop3A_35] : memref<2048x29xf32, #tpu.memory_space<vmem>>[vector<16xi32>, vector<16xi32>], vector<16xf32>,
      %parallel_loop3A_93 = math.exp %parallel_loop3A_92 : vector<16xf32>
      %parallel_loop3A_94 = tpu.vector_load_idx %arg4[%parallel_loop3A_7, %parallel_loop3A_37] : memref<2048x29xf32, #tpu.memory_space<vmem>>[vector<16xi32>, vector<16xi32>], vector<16xf32>,
      %parallel_loop3A_95 = math.exp %parallel_loop3A_94 : vector<16xf32>
      %parallel_loop3A_96 = tpu.vector_load_idx %arg4[%parallel_loop3A_7, %parallel_loop3A_39] : memref<2048x29xf32, #tpu.memory_space<vmem>>[vector<16xi32>, vector<16xi32>], vector<16xf32>,
      %parallel_loop3A_97 = math.exp %parallel_loop3A_96 : vector<16xf32>
      %parallel_loop3A_98 = tpu.vector_load_idx %arg4[%parallel_loop3A_7, %parallel_loop3A_41] : memref<2048x29xf32, #tpu.memory_space<vmem>>[vector<16xi32>, vector<16xi32>], vector<16xf32>,
      %parallel_loop3A_99 = math.exp %parallel_loop3A_98 : vector<16xf32>
      %parallel_loop3A_100 = tpu.vector_load_idx %arg4[%parallel_loop3A_7, %parallel_loop3A_43] : memref<2048x29xf32, #tpu.memory_space<vmem>>[vector<16xi32>, vector<16xi32>], vector<16xf32>,
      %parallel_loop3A_101 = math.exp %parallel_loop3A_100 : vector<16xf32>
      %parallel_loop3A_102 = tpu.vector_load_idx %arg4[%parallel_loop3A_7, %parallel_loop3A_45] : memref<2048x29xf32, #tpu.memory_space<vmem>>[vector<16xi32>, vector<16xi32>], vector<16xf32>,
      %parallel_loop3A_103 = math.exp %parallel_loop3A_102 : vector<16xf32>
      %parallel_loop3A_104 = tpu.vector_load_idx %arg4[%parallel_loop3A_7, %parallel_loop3A_47] : memref<2048x29xf32, #tpu.memory_space<vmem>>[vector<16xi32>, vector<16xi32>], vector<16xf32>,
      %parallel_loop3A_105 = math.exp %parallel_loop3A_104 : vector<16xf32>
      %parallel_loop3A_106 = tpu.vector_load_idx %arg4[%parallel_loop3A_7, %parallel_loop3A_49] : memref<2048x29xf32, #tpu.memory_space<vmem>>[vector<16xi32>, vector<16xi32>], vector<16xf32>,
      %parallel_loop3A_107 = math.exp %parallel_loop3A_106 : vector<16xf32>
      %parallel_loop3A_108 = tpu.vector_load_idx %arg4[%parallel_loop3A_7, %parallel_loop3A_51] : memref<2048x29xf32, #tpu.memory_space<vmem>>[vector<16xi32>, vector<16xi32>], vector<16xf32>,
      %parallel_loop3A_109 = math.exp %parallel_loop3A_108 : vector<16xf32>
      %parallel_loop3A_110 = tpu.vector_load_idx %arg4[%parallel_loop3A_7, %parallel_loop3A_53] : memref<2048x29xf32, #tpu.memory_space<vmem>>[vector<16xi32>, vector<16xi32>], vector<16xf32>,
      %parallel_loop3A_111 = math.exp %parallel_loop3A_110 : vector<16xf32>
      %parallel_loop3A_112 = tpu.vector_load_idx %arg4[%parallel_loop3A_7, %parallel_loop3A_55] : memref<2048x29xf32, #tpu.memory_space<vmem>>[vector<16xi32>, vector<16xi32>], vector<16xf32>,
      %parallel_loop3A_113 = math.exp %parallel_loop3A_112 : vector<16xf32>
      %parallel_loop3A_114 = tpu.vector_load_idx %arg4[%parallel_loop3A_7, %parallel_loop3A_57] : memref<2048x29xf32, #tpu.memory_space<vmem>>[vector<16xi32>, vector<16xi32>], vector<16xf32>,
      %parallel_loop3A_115 = math.exp %parallel_loop3A_114 : vector<16xf32>
      %parallel_loop3A_116 = tpu.vector_load_idx %arg4[%parallel_loop3A_7, %parallel_loop3A_59] : memref<2048x29xf32, #tpu.memory_space<vmem>>[vector<16xi32>, vector<16xi32>], vector<16xf32>,
      %parallel_loop3A_117 = math.exp %parallel_loop3A_116 : vector<16xf32>
      %parallel_loop3A_118 = tpu.vector_load_idx %arg4[%parallel_loop3A_7, %parallel_loop3A_61] : memref<2048x29xf32, #tpu.memory_space<vmem>>[vector<16xi32>, vector<16xi32>], vector<16xf32>,
      %parallel_loop3A_119 = math.exp %parallel_loop3A_118 : vector<16xf32>
      %parallel_loop3A_120 = tpu.vector_load_idx %arg4[%parallel_loop3A_7, %parallel_loop3A_63] : memref<2048x29xf32, #tpu.memory_space<vmem>>[vector<16xi32>, vector<16xi32>], vector<16xf32>,
      %parallel_loop3A_121 = math.exp %parallel_loop3A_120 : vector<16xf32>
      %parallel_loop3A_122 = tpu.vector_load_idx %arg4[%parallel_loop3A_7, %parallel_loop3A_65] : memref<2048x29xf32, #tpu.memory_space<vmem>>[vector<16xi32>, vector<16xi32>], vector<16xf32>,
      %parallel_loop3A_123 = math.exp %parallel_loop3A_122 : vector<16xf32>
      %parallel_loop3A_124 = arith.addf %parallel_loop3A_67, %parallel_loop3A_69 : vector<16xf32>
      %parallel_loop3A_125 = arith.addf %parallel_loop3A_124, %parallel_loop3A_71 : vector<16xf32>
      %parallel_loop3A_126 = arith.addf %parallel_loop3A_125, %parallel_loop3A_73 : vector<16xf32>
      %parallel_loop3A_127 = arith.addf %parallel_loop3A_126, %parallel_loop3A_75 : vector<16xf32>
      %parallel_loop3A_128 = arith.addf %parallel_loop3A_127, %parallel_loop3A_77 : vector<16xf32>
      %parallel_loop3A_129 = arith.addf %parallel_loop3A_128, %parallel_loop3A_79 : vector<16xf32>
      %parallel_loop3A_130 = arith.addf %parallel_loop3A_129, %parallel_loop3A_81 : vector<16xf32>
      %parallel_loop3A_131 = arith.addf %parallel_loop3A_130, %parallel_loop3A_83 : vector<16xf32>
      %parallel_loop3A_132 = arith.addf %parallel_loop3A_131, %parallel_loop3A_85 : vector<16xf32>
      %parallel_loop3A_133 = arith.addf %parallel_loop3A_132, %parallel_loop3A_87 : vector<16xf32>
      %parallel_loop3A_134 = arith.addf %parallel_loop3A_133, %parallel_loop3A_89 : vector<16xf32>
      %parallel_loop3A_135 = arith.addf %parallel_loop3A_134, %parallel_loop3A_91 : vector<16xf32>
      %parallel_loop3A_136 = arith.addf %parallel_loop3A_135, %parallel_loop3A_93 : vector<16xf32>
      %parallel_loop3A_137 = arith.addf %parallel_loop3A_136, %parallel_loop3A_95 : vector<16xf32>
      %parallel_loop3A_138 = arith.addf %parallel_loop3A_137, %parallel_loop3A_97 : vector<16xf32>
      %parallel_loop3A_139 = arith.addf %parallel_loop3A_138, %parallel_loop3A_99 : vector<16xf32>
      %parallel_loop3A_140 = arith.addf %parallel_loop3A_139, %parallel_loop3A_101 : vector<16xf32>
      %parallel_loop3A_141 = arith.addf %parallel_loop3A_140, %parallel_loop3A_103 : vector<16xf32>
      %parallel_loop3A_142 = arith.addf %parallel_loop3A_141, %parallel_loop3A_105 : vector<16xf32>
      %parallel_loop3A_143 = arith.addf %parallel_loop3A_142, %parallel_loop3A_107 : vector<16xf32>
      %parallel_loop3A_144 = arith.addf %parallel_loop3A_143, %parallel_loop3A_109 : vector<16xf32>
      %parallel_loop3A_145 = arith.addf %parallel_loop3A_144, %parallel_loop3A_111 : vector<16xf32>
      %parallel_loop3A_146 = arith.addf %parallel_loop3A_145, %parallel_loop3A_113 : vector<16xf32>
      %parallel_loop3A_147 = arith.addf %parallel_loop3A_146, %parallel_loop3A_115 : vector<16xf32>
      %parallel_loop3A_148 = arith.addf %parallel_loop3A_147, %parallel_loop3A_117 : vector<16xf32>
      %parallel_loop3A_149 = arith.addf %parallel_loop3A_148, %parallel_loop3A_119 : vector<16xf32>
      %parallel_loop3A_150 = arith.addf %parallel_loop3A_149, %parallel_loop3A_121 : vector<16xf32>
      %parallel_loop3A_151 = arith.addf %parallel_loop3A_150, %parallel_loop3A_123 : vector<16xf32>
      %parallel_loop3A_152 = arith.constant 1.000000e+00 : f32
      %parallel_loop3A_153 = vector.broadcast %parallel_loop3A_152 : f32 to vector<16xf32>
      %parallel_loop3A_154 = arith.divf %parallel_loop3A_153, %parallel_loop3A_151 : vector<16xf32>
      %parallel_loop3A_155 = arith.addf %parallel_loop3A_69, %parallel_loop3A_83 : vector<16xf32>
      %parallel_loop3A_156 = arith.addf %parallel_loop3A_155, %parallel_loop3A_85 : vector<16xf32>
      %parallel_loop3A_157 = arith.addf %parallel_loop3A_156, %parallel_loop3A_87 : vector<16xf32>
      %parallel_loop3A_158 = arith.addf %parallel_loop3A_157, %parallel_loop3A_89 : vector<16xf32>
      %parallel_loop3A_159 = arith.addf %parallel_loop3A_158, %parallel_loop3A_91 : vector<16xf32>
      %parallel_loop3A_160 = arith.addf %parallel_loop3A_159, %parallel_loop3A_93 : vector<16xf32>
      %parallel_loop3A_161 = arith.constant 0 : i32
      %parallel_loop3A_162 = vector.broadcast %parallel_loop3A_161 : i32 to vector<16xi32>
      %parallel_loop3A_163 = arith.mulf %parallel_loop3A_160, %parallel_loop3A_154 : vector<16xf32>
      tpu.vector_store_idx %arg5[%parallel_loop3A_7, %parallel_loop3A_162], %parallel_loop3A_163 : memref<2048x7xf32, #tpu.memory_space<vmem>>[vector<16xi32>, vector<16xi32>], vector<16xf32>,
      %parallel_loop3A_164 = arith.addf %parallel_loop3A_71, %parallel_loop3A_83 : vector<16xf32>
      %parallel_loop3A_165 = arith.addf %parallel_loop3A_164, %parallel_loop3A_95 : vector<16xf32>
      %parallel_loop3A_166 = arith.addf %parallel_loop3A_165, %parallel_loop3A_97 : vector<16xf32>
      %parallel_loop3A_167 = arith.addf %parallel_loop3A_166, %parallel_loop3A_99 : vector<16xf32>
      %parallel_loop3A_168 = arith.addf %parallel_loop3A_167, %parallel_loop3A_101 : vector<16xf32>
      %parallel_loop3A_169 = arith.addf %parallel_loop3A_168, %parallel_loop3A_103 : vector<16xf32>
      %parallel_loop3A_170 = arith.constant 1 : i32
      %parallel_loop3A_171 = vector.broadcast %parallel_loop3A_170 : i32 to vector<16xi32>
      %parallel_loop3A_172 = arith.mulf %parallel_loop3A_169, %parallel_loop3A_154 : vector<16xf32>
      tpu.vector_store_idx %arg5[%parallel_loop3A_7, %parallel_loop3A_171], %parallel_loop3A_172 : memref<2048x7xf32, #tpu.memory_space<vmem>>[vector<16xi32>, vector<16xi32>], vector<16xf32>,
      %parallel_loop3A_173 = arith.addf %parallel_loop3A_73, %parallel_loop3A_85 : vector<16xf32>
      %parallel_loop3A_174 = arith.addf %parallel_loop3A_173, %parallel_loop3A_95 : vector<16xf32>
      %parallel_loop3A_175 = arith.addf %parallel_loop3A_174, %parallel_loop3A_105 : vector<16xf32>
      %parallel_loop3A_176 = arith.addf %parallel_loop3A_175, %parallel_loop3A_107 : vector<16xf32>
      %parallel_loop3A_177 = arith.addf %parallel_loop3A_176, %parallel_loop3A_109 : vector<16xf32>
      %parallel_loop3A_178 = arith.addf %parallel_loop3A_177, %parallel_loop3A_111 : vector<16xf32>
      %parallel_loop3A_179 = arith.constant 2 : i32
      %parallel_loop3A_180 = vector.broadcast %parallel_loop3A_179 : i32 to vector<16xi32>
      %parallel_loop3A_181 = arith.mulf %parallel_loop3A_178, %parallel_loop3A_154 : vector<16xf32>
      tpu.vector_store_idx %arg5[%parallel_loop3A_7, %parallel_loop3A_180], %parallel_loop3A_181 : memref<2048x7xf32, #tpu.memory_space<vmem>>[vector<16xi32>, vector<16xi32>], vector<16xf32>,
      %parallel_loop3A_182 = arith.addf %parallel_loop3A_75, %parallel_loop3A_87 : vector<16xf32>
      %parallel_loop3A_183 = arith.addf %parallel_loop3A_182, %parallel_loop3A_97 : vector<16xf32>
      %parallel_loop3A_184 = arith.addf %parallel_loop3A_183, %parallel_loop3A_105 : vector<16xf32>
      %parallel_loop3A_185 = arith.addf %parallel_loop3A_184, %parallel_loop3A_113 : vector<16xf32>
      %parallel_loop3A_186 = arith.addf %parallel_loop3A_185, %parallel_loop3A_115 : vector<16xf32>
      %parallel_loop3A_187 = arith.addf %parallel_loop3A_186, %parallel_loop3A_117 : vector<16xf32>
      %parallel_loop3A_188 = arith.constant 3 : i32
      %parallel_loop3A_189 = vector.broadcast %parallel_loop3A_188 : i32 to vector<16xi32>
      %parallel_loop3A_190 = arith.mulf %parallel_loop3A_187, %parallel_loop3A_154 : vector<16xf32>
      tpu.vector_store_idx %arg5[%parallel_loop3A_7, %parallel_loop3A_189], %parallel_loop3A_190 : memref<2048x7xf32, #tpu.memory_space<vmem>>[vector<16xi32>, vector<16xi32>], vector<16xf32>,
      %parallel_loop3A_191 = arith.addf %parallel_loop3A_77, %parallel_loop3A_89 : vector<16xf32>
      %parallel_loop3A_192 = arith.addf %parallel_loop3A_191, %parallel_loop3A_99 : vector<16xf32>
      %parallel_loop3A_193 = arith.addf %parallel_loop3A_192, %parallel_loop3A_107 : vector<16xf32>
      %parallel_loop3A_194 = arith.addf %parallel_loop3A_193, %parallel_loop3A_113 : vector<16xf32>
      %parallel_loop3A_195 = arith.addf %parallel_loop3A_194, %parallel_loop3A_119 : vector<16xf32>
      %parallel_loop3A_196 = arith.addf %parallel_loop3A_195, %parallel_loop3A_121 : vector<16xf32>
      %parallel_loop3A_197 = arith.constant 4 : i32
      %parallel_loop3A_198 = vector.broadcast %parallel_loop3A_197 : i32 to vector<16xi32>
      %parallel_loop3A_199 = arith.mulf %parallel_loop3A_196, %parallel_loop3A_154 : vector<16xf32>
      tpu.vector_store_idx %arg5[%parallel_loop3A_7, %parallel_loop3A_198], %parallel_loop3A_199 : memref<2048x7xf32, #tpu.memory_space<vmem>>[vector<16xi32>, vector<16xi32>], vector<16xf32>,
      %parallel_loop3A_200 = arith.addf %parallel_loop3A_79, %parallel_loop3A_91 : vector<16xf32>
      %parallel_loop3A_201 = arith.addf %parallel_loop3A_200, %parallel_loop3A_101 : vector<16xf32>
      %parallel_loop3A_202 = arith.addf %parallel_loop3A_201, %parallel_loop3A_109 : vector<16xf32>
      %parallel_loop3A_203 = arith.addf %parallel_loop3A_202, %parallel_loop3A_115 : vector<16xf32>
      %parallel_loop3A_204 = arith.addf %parallel_loop3A_203, %parallel_loop3A_119 : vector<16xf32>
      %parallel_loop3A_205 = arith.addf %parallel_loop3A_204, %parallel_loop3A_123 : vector<16xf32>
      %parallel_loop3A_206 = arith.constant 5 : i32
      %parallel_loop3A_207 = vector.broadcast %parallel_loop3A_206 : i32 to vector<16xi32>
      %parallel_loop3A_208 = arith.mulf %parallel_loop3A_205, %parallel_loop3A_154 : vector<16xf32>
      tpu.vector_store_idx %arg5[%parallel_loop3A_7, %parallel_loop3A_207], %parallel_loop3A_208 : memref<2048x7xf32, #tpu.memory_space<vmem>>[vector<16xi32>, vector<16xi32>], vector<16xf32>,
      %parallel_loop3A_209 = arith.addf %parallel_loop3A_81, %parallel_loop3A_93 : vector<16xf32>
      %parallel_loop3A_210 = arith.addf %parallel_loop3A_209, %parallel_loop3A_103 : vector<16xf32>
      %parallel_loop3A_211 = arith.addf %parallel_loop3A_210, %parallel_loop3A_111 : vector<16xf32>
      %parallel_loop3A_212 = arith.addf %parallel_loop3A_211, %parallel_loop3A_117 : vector<16xf32>
      %parallel_loop3A_213 = arith.addf %parallel_loop3A_212, %parallel_loop3A_121 : vector<16xf32>
      %parallel_loop3A_214 = arith.addf %parallel_loop3A_213, %parallel_loop3A_123 : vector<16xf32>
      %parallel_loop3A_215 = arith.constant 6 : i32
      %parallel_loop3A_216 = vector.broadcast %parallel_loop3A_215 : i32 to vector<16xi32>
      %parallel_loop3A_217 = arith.mulf %parallel_loop3A_214, %parallel_loop3A_154 : vector<16xf32>
      tpu.vector_store_idx %arg5[%parallel_loop3A_7, %parallel_loop3A_216], %parallel_loop3A_217 : memref<2048x7xf32, #tpu.memory_space<vmem>>[vector<16xi32>, vector<16xi32>], vector<16xf32>,
    } {sc.loop_unroll_factor = 4 : i64, sc.parallel_access}
    "tpu.region"() ({
      %run_scoped3A = tpu.sem_alloc : memref<!tpu.dma_semaphore, #tpu.memory_space<semaphore_mem>>
      %dma_start3A = arith.constant 0 : i32
      %dma_start3A_3 = arith.constant 0 : i32
      %dma_start3A_4 = tpu.memref_slice %arg3[%add3A, %dma_start3A, %dma_start3A_3] : memref<32x2048x7xf32, #tpu.memory_space<hbm>> -> memref<1x2048x7xf32, #tpu.memory_space<hbm>>
      %dma_start3A_5 = tpu.memref_squeeze %dma_start3A_4 : memref<1x2048x7xf32, #tpu.memory_space<hbm>> -> memref<2048x7xf32, #tpu.memory_space<hbm>>
      %dma_start3A_6 = arith.constant 0 : i32
      %dma_start3A_7 = arith.constant 0 : i32
      %dma_start3A_8 = tpu.memref_slice %arg3[%add3A, %dma_start3A_6, %dma_start3A_7] : memref<32x2048x7xf32, #tpu.memory_space<hbm>> -> memref<1x2048x7xf32, #tpu.memory_space<hbm>>
      %dma_start3A_9 = tpu.memref_squeeze %dma_start3A_8 : memref<1x2048x7xf32, #tpu.memory_space<hbm>> -> memref<2048x7xf32, #tpu.memory_space<hbm>>
      tpu.enqueue_dma source(%arg5 : memref<2048x7xf32, #tpu.memory_space<vmem>>) target(%dma_start3A_9 : memref<2048x7xf32, #tpu.memory_space<hbm>>) target_semaphore(%run_scoped3A : memref<!tpu.dma_semaphore, #tpu.memory_space<semaphore_mem>>)
      %dma_wait3A = arith.constant 0 : i32
      %dma_wait3A_10 = arith.constant 0 : i32
      %dma_wait3A_11 = tpu.memref_slice %arg3[%add3A, %dma_wait3A, %dma_wait3A_10] : memref<32x2048x7xf32, #tpu.memory_space<hbm>> -> memref<1x2048x7xf32, #tpu.memory_space<hbm>>
      %dma_wait3A_12 = tpu.memref_squeeze %dma_wait3A_11 : memref<1x2048x7xf32, #tpu.memory_space<hbm>> -> memref<2048x7xf32, #tpu.memory_space<hbm>>
      %dma_wait3A_13 = arith.constant 0 : i32
      %dma_wait3A_14 = arith.constant 0 : i32
      %dma_wait3A_15 = tpu.memref_slice %arg3[%add3A, %dma_wait3A_13, %dma_wait3A_14] : memref<32x2048x7xf32, #tpu.memory_space<hbm>> -> memref<1x2048x7xf32, #tpu.memory_space<hbm>>
      %dma_wait3A_16 = tpu.memref_squeeze %dma_wait3A_15 : memref<1x2048x7xf32, #tpu.memory_space<hbm>> -> memref<2048x7xf32, #tpu.memory_space<hbm>>
      tpu.wait_dma2 semaphore(%run_scoped3A : memref<!tpu.dma_semaphore, #tpu.memory_space<semaphore_mem>>) src(%arg5 : memref<2048x7xf32, #tpu.memory_space<vmem>>) dst(%dma_wait3A_16 : memref<2048x7xf32, #tpu.memory_space<hbm>>)
      tpu.yield
    }) : () -> ()
    return
  }
}

</mosaic_0001>

<sc_bundles>
// kernel: kernel.3.cloned.1.call-start
scs
__scs_entry_jumppad:
0x0: {  	(pc) =	sbr.rel $0x88, $3  }
0x1: {  	(tag) =	ssettag $0x0;
	lr =	simm.s32 $0x1  }
0x2: {  	[smem:$0x3FA0] =	sst lr;
	_ =	strace $0xD0000000  }
0x3: {  	_ = 	snop  }
0x4: {  	_ = 	snop  }
0x5: {  	_ = 	snop  }
0x6: {  	_ = 	snop  }
0x7: {  	_ = 	snop  }
__scs_overlays_trampoline_lowered:
0x8: {  	[smem:$0x3FAF] =	sst s0  }
0x9: {  	[smem:$0x3FB0] =	sst s1  }
0xa: {  	[smem:$0x3FB1] =	sst s2  }
0xb: {  	[smem:$0x3FB2] =	sst s3  }
0xc: {  	[smem:$0x3FB3] =	sst s4  }
0xd: {  	[smem:$0x3FB4] =	sst s5  }
0xe: {  	[smem:$0x3FB5] =	sst s6  }
0xf: {  	[smem:$0x3FB6] =	sst s7  }
0x10: {  	[smem:$0x3FB7] =	sst s8  }
0x11: {  	[smem:$0x3FB8] =	sst s9;
	s0 =	simm.s32 @!p0 $0x0  }
0x12: {  	s1 =	sld [smem:$0x3F9E];
	s0 =	simm.s32 @p0 $0x1  }
0x13: {  	[smem:$0x3FB9] =	sst s0;
	s0 =	simm.s32 @!p1 $0x0  }
0x14: {  	s2 =	sld [smem:$0x3F9D];
	s0 =	simm.s32 @p1 $0x1  }
0x15: {  	[smem:$0x3FBA] =	sst s0;
	s0 =	simm.s32 @!p2 $0x0  }
0x16: {  	s3 =	sld [smem:$0x3FDB];
	s0 =	simm.s32 @p2 $0x1  }
0x17: {  	s4 =	simm.s32 $0x1BF5;
	[smem:$0x3FBC] =	sst s0  }
0x18: {  	s0 =	sld [smem:$0x3F9F];
	_ =	swait.ge [sflag:s4], $0x0  }
0x19: {  	s7 =	sld [smem:$0x3FA0]  }
0x1a: {  	s8 =	sadd.s32 $0xFFFFE003, lr  }
0x1b: {  	s9 =	sadd.s32 $0xFFFFFEF7, lr;
	s5 =	simm.s32 $0xFFFFFFFF;
	p2 =	slt.u32 s8, $0xFFFFF086  }
0x1c: {  	p1 =	slt.u32 s9, $0xF7A;
	s5 =	simm.s32 @!p2 $0x0  }
0x1d: {  	s5 =	simm.s32 @p1 $0x1;
	p0 =	seq.s32 s7, s2  }
0x1e: {  	s7 =	smul.u32 @!p0 $0xF7A, s2;
	p2 =	seq.s32 @!p0 s5, $0x0  }
0x1f: {  	s9 =	smul.u32 $0xF7A, s1;
	s8 =	simm.s32 @!p0 $0x1BF5;
	p2 =	por !p2, p0  }
0x20: {  	[sflag:s8] =	ssyncset.s32 @!p0 $0xFFFFF086;
	s6 =	sadd.s32 @!p0 s3, s7;
	s7 =	simm.s32 @!p0 $0x108  }
0x21: {  	s3 =	sadd.s32 s3, s9;
	s6 =	sadd.s32 @!p0 $0x88, s6;
	s7 =	simm.s32 @p2 $0x1082  }
0x22: {  	[simem:s7], [sflag:s8] =	dma.local @!p0 [hbm:s6], $0xF7A  }
0x23: {  	s9 =	sor.u32 $0xD0000000, s2;
	s6 =	simm.s32 $0x108;
	_ =	swait.ge @!p0 [sflag:s8], $0x0  }
0x24: {  	s3 =	sadd.s32 $0x88, s3;
	s6 =	simm.s32 @!p1 $0x1082;
	[sflag:s4] =	ssyncset.s32 $0xFFFFF086  }
0x25: {  	[simem:s6], [sflag:s4] =	dma.local [hbm:s3], $0xF7A  }
0x26: {  	[smem:$0x3FA0] =	sst s1;
	(tag) =	ssettag s2;
	_ =	strace s9  }
0x27: {  	s1 =	sld [smem:$0x3FB0]  }
0x28: {  	s2 =	sld [smem:$0x3FB1]  }
0x29: {  	s4 =	sld [smem:$0x3FB3]  }
0x2a: {  	p0 =	seq.s32 s5, $0x0;
	s5 =	sld [smem:$0x3FB4]  }
0x2b: {  	s6 =	sld [smem:$0x3FB5]  }
0x2c: {  	s7 =	sld [smem:$0x3FB6]  }
0x2d: {  	s3 =	simm.s32 $0x108;
	s8 =	sld [smem:$0x3FB7]  }
0x2e: {  	s3 =	simm.s32 @!p0 $0x1082;
	s9 =	sld [smem:$0x3FB8]  }
0x2f: {  	lr =	sadd.s32 s0, s3;
	s0 =	sld [smem:$0x3FAF]  }
0x30: {  	s3 =	sld [smem:$0x3FB2]  }
0x31: {  	[smem:$0x3FBB] =	sst s10  }
0x32: {  	s10 =	sld [smem:$0x3FB9];
	_ =	sdelay $0x3  }
0x33: {  	p0 =	seq.s32 s10, $0x1;
	s10 =	sld [smem:$0x3FBB];
	_ =	sdelay $0x3  }
0x34: {  	[smem:$0x3FBB] =	sst s10  }
0x35: {  	s10 =	sld [smem:$0x3FBA];
	_ =	sdelay $0x3  }
0x36: {  	p1 =	seq.s32 s10, $0x1;
	s10 =	sld [smem:$0x3FBB];
	_ =	sdelay $0x3  }
0x37: {  	[smem:$0x3FBB] =	sst s10  }
0x38: {  	s10 =	sld [smem:$0x3FBC]  }
0x39: {  	_ = 	snop;
	(pc) =	sbr.ind lr, $3  }
0x3a: {  	_ = 	snop  }
0x3b: {  	_ = 	snop  }
0x3c: {  	p2 =	seq.s32 s10, $0x1;
	s10 =	sld [smem:$0x3FBB]  }
0x3d: {  	_ =	shalt  }
0x3e: {  	_ =	shalt  }
0x3f: {  	_ =	shalt  }
0x40: {  	_ =	shalt  }
0x41: {  	_ =	shalt  }
0x42: {  	_ =	shalt  }
0x43: {  	_ =	shalt  }
0x44: {  	_ =	shalt  }
0x45: {  	_ =	shalt  }
0x46: {  	_ =	shalt  }
0x47: {  	_ =	shalt  }
0x48: {  	_ =	shalt  }
0x49: {  	_ =	shalt  }
0x4a: {  	_ =	shalt  }
0x4b: {  	_ =	shalt  }
0x4c: {  	_ =	shalt  }
0x4d: {  	_ =	shalt  }
0x4e: {  	_ =	shalt  }
0x4f: {  	_ =	shalt  }
0x50: {  	_ =	shalt  }
0x51: {  	_ =	shalt  }
0x52: {  	_ =	shalt  }
0x53: {  	_ =	shalt  }
0x54: {  	_ =	shalt  }
0x55: {  	_ =	shalt  }
0x56: {  	_ =	shalt  }
0x57: {  	_ =	shalt  }
0x58: {  	_ =	shalt  }
0x59: {  	_ =	shalt  }
0x5a: {  	_ =	shalt  }
0x5b: {  	_ =	shalt  }
0x5c: {  	_ =	shalt  }
0x5d: {  	_ =	shalt  }
0x5e: {  	_ =	shalt  }
0x5f: {  	_ =	shalt  }
0x60: {  	_ =	shalt  }
0x61: {  	_ =	shalt  }
0x62: {  	_ =	shalt  }
0x63: {  	_ =	shalt  }
0x64: {  	_ =	shalt  }
0x65: {  	_ =	shalt  }
0x66: {  	_ =	shalt  }
0x67: {  	_ =	shalt  }
0x68: {  	_ =	shalt  }
0x69: {  	_ =	shalt  }
0x6a: {  	_ =	shalt  }
0x6b: {  	_ =	shalt  }
0x6c: {  	_ =	shalt  }
0x6d: {  	_ =	shalt  }
0x6e: {  	_ =	shalt  }
0x6f: {  	_ =	shalt  }
0x70: {  	_ =	shalt  }
0x71: {  	_ =	shalt  }
0x72: {  	_ =	shalt  }
0x73: {  	_ =	shalt  }
0x74: {  	_ =	shalt  }
0x75: {  	_ =	shalt  }
0x76: {  	_ =	shalt  }
0x77: {  	_ =	shalt  }
0x78: {  	_ =	shalt  }
0x79: {  	_ =	shalt  }
0x7a: {  	_ =	shalt  }
0x7b: {  	_ =	shalt  }
0x7c: {  	_ =	shalt  }
0x7d: {  	_ =	shalt  }
0x7e: {  	_ =	shalt  }
0x7f: {  	_ =	shalt  }
0x80: {  	_ =	shalt  }
0x81: {  	_ =	shalt  }
0x82: {  	_ =	shalt  }
0x83: {  	_ =	shalt  }
0x84: {  	_ =	shalt  }
0x85: {  	_ =	shalt  }
0x86: {  	_ =	shalt  }
0x87: {  	_ =	shalt  }
.Lfunc_end0:
.L_simem_size_0:
called_computation_lowered:
.L_overlay_start_0:
0x88: {  	s2 =	sld [smem:$0x3FD9]  }
0x89: {  	s3 =	sld [smem:$0x3FFE];
	_ =	sdelay $0x1  }
0x8a: {  	s1 =	srdreg.scid  }
0x8b: {  	s0 =	sand.u32 $0x1, s1  }
0x8c: {  	s16 =	sshll.u32 s0, $0xA;
	s2 =	sadd.s32 s3, s2  }
0x8d: {  	s2 =	sadd.s32 s2, s16  }
0x8e: {  	[smem:$0x3FC7] =	sst s2  }
0x8f: {  	_ = 	snop  }
0x90: {  	(tm) =	ssettm $0x1  }
0x91: {  	s17 =	sld [smem:$0x3FFB];
	_ =	sdelay $0x3  }
0x92: {  	_ =	strace s17  }
0x93: {  	s2 =	sld [smem:$0x3FFC];
	_ =	sdelay $0x3  }
0x94: {  	_ =	strace s2  }
0x95: {  	s2 =	sld [smem:$0x3FFD];
	_ =	sdelay $0x3  }
0x96: {  	_ =	strace s2  }
0x97: {  	_ =	strace $0x8FFFFFFF  }
0x98: {  	s18 =	sld [smem:$0x3FDB];
	_ =	sdelay $0x1  }
0x99: {  	s19 =	simm.s32 $_scs_section_size  }
0x9a: {  	s4 =	simm.s32 $_size__tile_overlayer_lowered;
	s5 =	simm.s32 $_tile_overlayer_lowered  }
0x9b: {  	s22 =	simm.s32 $0x1BFF;
	s21 =	sshll.u32 s5, $0x1;
	s2 =	sadd.s32 s19, s18  }
0x9c: {  	s6 =	simm.s32 $0x0;
	s20 =	sshll.u32 s4, $0x1;
	s4 =	sadd.s32 s21, s2  }
0x9d: {  	[timem:s6], [sflag:s22] =	dma.local [hbm:s4], s20  }
0x9e: {  	_ =	swait.ge [sflag:s22], s20  }
0x9f: {  	s3 =	ssub.s32 $0x0, s20;
	[sflag:s22] =	ssyncset.done $0x0  }
0xa0: {  	[sflag:s22] =	ssyncadd.s32 s3;
	_ =	sdelay $0x1  }
0xa1: {  	s23 =	simm.s32 $0x1B8B  }
0xa2: {  	_ =	swait.ge [sflag:s23], $0x1  }
0xa3: {  	[sflag:s23] =	ssyncset.done $0x0  }
0xa4: {  	s25 =	simm.s32 $0x1B8E;
	s24 =	sld [smem:$0x3FFE];
	[sflag:s23] =	ssyncadd.s32 $0xFFFFFFFF  }
0xa5: {  	s26 =	simm.s32 $execute0_lowered;
	[smem:$0x3FD2] =	sst s25  }
0xa6: {  	s4 =	sshll.u32 s26, $0x1;
	_ =	strace $0x80000046;
	[dreg:$0x1] =	wrdreg $0xFFFFFFFF  }
0xa7: {  	s28 =	simm.s32 $_size_execute0_lowered;
	s2 =	sadd.s32 s2, s4;
	[dreg:$0x0] =	wrdreg $0x0  }
0xa8: {  	s4 =	sshll.u32 s28, $0x1;
	[dreg:$0x2] =	wrdreg s2  }
0xa9: {  	[dreg:$0x3] =	wrdreg s4  }
0xaa: {  	[dreg:$0x4] =	wrdreg $0xC0  }
0xab: {  	_ =	task [dreg:s6], $0x5FFFF  }
0xac: {  	[dreg:$0x1] =	wrdreg $0xFFFFFFFF  }
0xad: {  	[dreg:$0x0] =	wrdreg $0x60  }
0xae: {  	[dreg:$0x2] =	wrdreg s24  }
0xaf: {  	[dreg:$0x3] =	wrdreg $0x9  }
0xb0: {  	_ =	task.clear_ibuf [dreg:s6], $0x4FFFF;
	_ =	strace $0x90000046  }
0xb1: {  	s29 =	simm.s32 $0x9;
	_ =	strace $0x80000048  }
0xb2: {  	_ =	swait.ge [sflag:s29], $0x1  }
0xb3: {  	[sflag:s29] =	ssyncadd.s32 $0xFFFFFFFF  }
0xb4: {  	_ =	strace $0x90000048  }
0xb5: {  	_ =	sfence  }
0xb6: {  	s30 =	sld [smem:$0x0];
	_ =	sdelay $0x2  }
0xb7: {  	s31 =	sshll.u32 s1, $0xD;
	s1 =	sshrl.u32 s1, $0x2  }
0xb8: {  	s3 =	sand.u32 $0x4000, s31;
	s1 =	sadd.s32 s1, s30  }
0xb9: {  	s0 =	sor.u32 s3, s0;
	s1 =	sshll.u32 s1, $0x11  }
0xba: {  	s0 =	sor.u32 s1, s0  }
0xbb: {  	s0 =	sadd.s32 $0x8F2B, s0  }
0xbc: {  	[sflag:s0] =	ssyncadd.remote.s32 $0x1  }
0xbd: {  	_ =	sfence.sel $0xFFFF  }
0xbe: {  	[dreg:$0x0] =	wrdreg $0xFFFFFFFF;
	(pc) =	sbr.abs _section_cstart, $3  }
0xbf: {  	[dreg:$0x1] =	wrdreg $0xFFFFFFFF  }
0xc0: {  	_ =	task.clear_ibuf [dreg:s6], $0x2FFFF;
	_ =	strace $0x9FFFFFFF  }
0xc1: {  	(tm) =	ssettm $0x7FFFFFFF  }
tec
execute0_lowered:
.L_overlay_start_1:
0x0: {  	(tag) =	ssettag $0x1  }
0x1: {  	s3 =	rddreg [dreg:$0x0]  }
0x2: {  	s0 =	rddreg [dreg:$0x1]  }
0x3: {  	s2 =	simm.s32 $0x0;
	s4 =	srdreg.scid;
	s1 =	stileid.u32  }
0x4: {  	[smem:$0x7FF] =	sst s2;
	s4 =	sand.u32 $0x1, s4;
	s5 =	sshll.u32 s1, $0x1  }
0x5: {  	s8 =	simm.s32 $0x0;
	_ =	strace $0x80000047;
	s5 =	sor.u32 s4, s5  }
0x6: {  	s4 =	ssub.s32 $0x2, s4;
	s6 =	sshll.u32 s5, $0xD;
	s5 =	sshll.u32 s5, $0xB  }
0x7: {  	s7 =	sshrl.u32 s4, $0x1;
	s6 =	sadd.s32 s6, s3;
	s5 =	sadd.s32 s5, s3  }
0x8: {  	s7 =	ssub.s32 s4, s7;
	s3 =	sadd.s32 $0x400, s6;
	s4 =	sadd.s32 $0x40400, s5  }
0x9: {  	v1 =	vlaneseq.u32;
	s5 =	smax.u32 s7, $0x1;
	s6 =	simm.s32 $0x1;
	s7 =	simm.s32 $0x10000  }
.LBB2_1:
0xa: {  	s9 =	simm.s32 $0x20;
	s10 =	simm.s32 $0x0  }
0xb: {  	[tilespmem:s2], [sflag:$0x1] =	stream.linear.gather [hbm4b:s3+s2], $0x10000, $0x38;
	v0 =	vor.u32 s9, v1;
	[tilespmem:$0x14000] =	vst v63  }
0xc: {  	v2 =	vor.u32 s10, v1;
	[tilespmem:$0x1FEA0] =	vst v0;
	v0 =	vshll.u32 v0, $0x5  }
0xd: {  	s30 =	simm.s32 $0x30;
	[tilespmem:$0x1FEF0] =	vst v2;
	v7 =	vshll.u32 v2, $0x5  }
0xe: {  	s31 =	simm.s32 $0x10;
	v2 =	vor.u32 s30, v1;
	v8 =	vor.u32 $0x1, v0;
	_ =	swait.ge [sflag:s6], $0x10000  }
0xf: {  	v1 =	vor.u32 s31, v1;
	v9 =	vor.u32 $0x1, v7;
	[tilespmem:$0x1FF30] =	vst v2;
	[sflag:s6] =	ssyncset.done $0x0  }
0x10: {  	v6 =	vshll.u32 v1, $0x5;
	v10 =	vor.u32 $0x2, v0;
	[tilespmem:$0x1FF20] =	vst v1;
	[sflag:s6] =	ssyncadd.s32 $0xFFFF0000  }
0x11: {  	v12 =	vor.u32 $0x1, v6;
	v13 =	vld.idx.msk [tilespmem:v0+s2+$0x0], $0xffff  }
0x12: {  	v15 =	vor.u32 $0x3, v0;
	v34 =	vld.idx.msk [tilespmem:v7+s2+$0x0], $0xffff  }
0x13: {  	v5 =	vshll.u32 v2, $0x5;
	v21 =	vor.u32 $0x4, v0;
	v8 =	vld.idx.msk [tilespmem:v8+s2+$0x0], $0xffff  }
0x14: {  	v11 =	vor.u32 $0x2, v7;
	v22 =	vor.u32 $0x3, v7;
	v28 =	vor.u32 $0x4, v7;
	v9 =	vld.idx.msk [tilespmem:v9+s2+$0x0], $0xffff  }
0x15: {  	v27 =	vor.u32 $0x5, v7;
	v19 =	vor.u32 $0x6, v7;
	v32 =	vor.u32 $0x5, v0;
	v10 =	vld.idx.msk [tilespmem:v10+s2+$0x0], $0xffff  }
0x16: {  	v14 =	vor.u32 $0x7, v7;
	v35 =	vor.u32 $0x6, v0;
	v17 =	vor.u32 $0x1, v5;
	v31 =	vld.idx.msk [tilespmem:v12+s2+$0x0], $0xffff  }
0x17: {  	v37 =	vor.u32 $0x7, v0;
	v43 =	vor.u32 $0x8, v0;
	v33 =	vld.idx.msk [tilespmem:v15+s2+$0x0], $0xffff;
	v12 =	vmul.f32 $1.442695020e+00, v13  }
0x18: {  	v38 =	vor.u32 $0xA, v0;
	v21 =	vld.idx.msk [tilespmem:v21+s2+$0x0], $0xffff;
	v34 =	vmul.f32 $1.442695020e+00, v34;
	v8 =	vmul.f32 $1.442695020e+00, v8  }
0x19: {  	v39 =	vor.u32 $0xB, v0;
	v36 =	vld.idx.msk [tilespmem:v6+s2+$0x0], $0xffff;
	v9 =	vmul.f32 $1.442695020e+00, v9;
	(erf) = vpow2.f32 v12  }
0x1a: {  	v48 =	vor.u32 $0xC, v0;
	v10 =	vmul.f32 $1.442695020e+00, v10;
	(erf) = vpow2.f32 v8;
	v8 =	vld.idx.msk [tilespmem:v32+s2+$0x0], $0xffff  }
0x1b: {  	v42 =	vor.u32 $0xD, v0;
	v17 =	vld.idx.msk [tilespmem:v17+s2+$0x0], $0xffff;
	v31 =	vmul.f32 $1.442695020e+00, v31;
	(erf) = vpow2.f32 v9  }
0x1c: {  	v51 =	vor.u32 $0xE, v0;
	v9 =	vmul.f32 $1.442695020e+00, v33;
	(erf) = vpow2.f32 v10  }
0x1d: {  	v18 =	vor.u32 $0x2, v6;
	v44 =	vld.idx.msk [tilespmem:v35+s2+$0x0], $0xffff;
	v21 =	vmul.f32 $1.442695020e+00, v21;
	(erf) = vpow2.f32 v31  }
0x1e: {  	v45 =	vld.idx.msk [tilespmem:v5+s2+$0x0], $0xffff;
	v36 =	vmul.f32 $1.442695020e+00, v36;
	v31 =	vor.u32 $0x9, v0;
	(erf) = vpow2.f32 v9  }
0x1f: {  	v20 =	vor.u32 $0x2, v5;
	v37 =	vld.idx.msk [tilespmem:v37+s2+$0x0], $0xffff;
	(erf) = vpow2.f32 v34;
	v8 =	vmul.f32 $1.442695020e+00, v8  }
0x20: {  	v53 =	vor.u32 $0xF, v0;
	v46 =	vld.idx.msk [tilespmem:v11+s2+$0x0], $0xffff;
	v17 =	vmul.f32 $1.442695020e+00, v17;
	(erf) = vpow2.f32 v21  }
0x21: {  	v55 =	vor.u32 $0x10, v0;
	v58 =	vor.u32 $0x11, v0;
	v32 =	vld.idx.msk [tilespmem:v43+s2+$0x0], $0xffff;
	(erf) = vpow2.f32 v36  }
0x22: {  	v61 =	vor.u32 $0x12, v0;
	v47 =	vld.idx.msk [tilespmem:v18+s2+$0x0], $0xffff;
	v18 =	vmul.f32 $1.442695020e+00, v44;
	v21 =	vpop (erf);
	(erf) = vpow2.f32 v8  }
0x23: {  	v24 =	vor.u32 $0x3, v6;
	v35 =	vmul.f32 $1.442695020e+00, v45;
	v31 =	vld.idx.msk [tilespmem:v31+s2+$0x0], $0xffff;
	v8 =	vpop (erf);
	(erf) = vpow2.f32 v17  }
0x24: {  	v25 =	vor.u32 $0x3, v5;
	v20 =	vld.idx.msk [tilespmem:v20+s2+$0x0], $0xffff;
	v37 =	vmul.f32 $1.442695020e+00, v37;
	v17 =	vpop (erf);
	(erf) = vpow2.f32 v18  }
0x25: {  	v49 =	vld.idx.msk [tilespmem:v22+s2+$0x0], $0xffff;
	v34 =	vmul.f32 $1.442695020e+00, v46;
	v40 =	vadd.f32 v8, v21;
	v21 =	vpop (erf);
	(erf) = vpow2.f32 v35  }
0x26: {  	v29 =	vor.u32 $0x4, v6;
	v38 =	vld.idx.msk [tilespmem:v38+s2+$0x0], $0xffff;
	v32 =	vmul.f32 $1.442695020e+00, v32;
	v18 =	vpop (erf);
	(erf) = vpow2.f32 v37  }
0x27: {  	v50 =	vld.idx.msk [tilespmem:v39+s2+$0x0], $0xffff;
	v36 =	vmul.f32 $1.442695020e+00, v47;
	v40 =	vadd.f32 v21, v40;
	(erf) = vpow2.f32 v34  }
0x28: {  	v26 =	vor.u32 $0x5, v6;
	v52 =	vld.idx.msk [tilespmem:v48+s2+$0x0], $0xffff;
	v22 =	vpop (erf);
	v31 =	vmul.f32 $1.442695020e+00, v31;
	(erf) = vpow2.f32 v32  }
0x29: {  	v28 =	vld.idx.msk [tilespmem:v28+s2+$0x0], $0xffff;
	v20 =	vmul.f32 $1.442695020e+00, v20;
	v40 =	vadd.f32 v22, v40;
	v34 =	vpop (erf);
	(erf) = vpow2.f32 v36  }
0x2a: {  	v30 =	vor.u32 $0x4, v5;
	v43 =	vld.idx.msk [tilespmem:v24+s2+$0x0], $0xffff;
	v24 =	vpop (erf);
	(erf) = vpow2.f32 v31;
	v31 =	vmul.f32 $1.442695020e+00, v49  }
0x2b: {  	v23 =	vor.u32 $0x5, v5;
	v56 =	vld.idx.msk [tilespmem:v51+s2+$0x0], $0xffff;
	v38 =	vmul.f32 $1.442695020e+00, v38;
	v40 =	vadd.f32 v24, v40;
	v41 =	vpop (erf)  }
0x2c: {  	v16 =	vor.u32 $0x6, v6;
	v54 =	vld.idx.msk [tilespmem:v25+s2+$0x0], $0xffff;
	v13 =	vor.u32 $0x7, v6;
	v25 =	vpop (erf);
	(erf) = vpow2.f32 v20  }
0x2d: {  	v15 =	vor.u32 $0x6, v5;
	v44 =	vld.idx.msk [tilespmem:v42+s2+$0x0], $0xffff;
	v40 =	vadd.f32 v25, v40;
	(erf) = vpow2.f32 v38;
	v20 =	vpop (erf)  }
0x2e: {  	v11 =	vor.u32 $0x8, v5;
	v60 =	vld.idx.msk [tilespmem:v53+s2+$0x0], $0xffff;
	v37 =	vmul.f32 $1.442695020e+00, v50;
	(erf) = vpow2.f32 v31;
	v31 =	vpop (erf)  }
0x2f: {  	v63 =	vld.idx.msk [tilespmem:v30+s2+$0x0], $0xffff;
	v10 =	vor.u32 $0x8, v7;
	v57 =	vmul.f32 $1.442695020e+00, v43;
	v59 =	vadd.f32 v31, v40;
	v42 =	vpop (erf)  }
0x30: {  	v53 =	vor.u32 $0x13, v0;
	v45 =	vld.idx.msk [tilespmem:v29+s2+$0x0], $0xffff;
	v46 =	vmul.f32 $1.442695020e+00, v52;
	(erf) = vpow2.f32 v37;
	v29 =	vpop (erf)  }
0x31: {  	v62 =	vmul.f32 $1.442695020e+00, v54;
	v13 =	vld.idx.msk [tilespmem:v13+s2+$0x0], $0xffff;
	(erf) = vpow2.f32 v57;
	v52 =	vadd.f32 v29, v59;
	v32 =	vpop (erf)  }
0x32: {  	v30 =	vmul.f32 $1.442695020e+00, v44;
	v9 =	vor.u32 $0x8, v6;
	v43 =	vld.idx.msk [tilespmem:v58+s2+$0x0], $0xffff;
	(erf) = vpow2.f32 v46;
	v39 =	vpop (erf)  }
0x33: {  	v27 =	vld.idx.msk [tilespmem:v27+s2+$0x0], $0xffff;
	v28 =	vmul.f32 $1.442695020e+00, v28;
	(erf) = vpow2.f32 v62;
	v44 =	vadd.f32 v39, v52;
	v33 =	vpop (erf)  }
0x34: {  	v48 =	vor.u32 $0x14, v0;
	v51 =	vor.u32 $0x17, v0;
	v10 =	vld.idx.msk [tilespmem:v10+s2+$0x0], $0xffff;
	(erf) = vpow2.f32 v30;
	v38 =	vpop (erf)  }
0x35: {  	v45 =	vmul.f32 $1.442695020e+00, v45;
	v35 =	vld.idx.msk [tilespmem:v55+s2+$0x0], $0xffff;
	(erf) = vpow2.f32 v28;
	v28 =	vadd.f32 v38, v44  }
0x36: {  	v12 =	vor.u32 $0x7, v5;
	v54 =	vld.idx.msk [tilespmem:v61+s2+$0x0], $0xffff;
	v47 =	vmul.f32 $1.442695020e+00, v56;
	v13 =	vmul.f32 $1.442695020e+00, v13  }
0x37: {  	v61 =	vor.u32 $0x18, v0;
	v9 =	vld.idx.msk [tilespmem:v9+s2+$0x0], $0xffff;
	v43 =	vmul.f32 $1.442695020e+00, v43;
	v36 =	vmul.f32 $1.442695020e+00, v63;
	v30 =	vpop (erf)  }
0x38: {  	v26 =	vld.idx.msk [tilespmem:v26+s2+$0x0], $0xffff;
	v55 =	vor.u32 $0x15, v0;
	v37 =	vmul.f32 $1.442695020e+00, v60;
	(erf) = vpow2.f32 v47;
	v40 =	vpop (erf)  }
0x39: {  	v10 =	vmul.f32 $1.442695020e+00, v10;
	(erf) = vpow2.f32 v45;
	v49 =	vadd.f32 v40, v28;
	v28 =	vpop (erf)  }
0x3a: {  	v23 =	vld.idx.msk [tilespmem:v23+s2+$0x0], $0xffff;
	v50 =	vor.u32 $0x16, v0;
	v56 =	vmul.f32 $1.442695020e+00, v35;
	(erf) = vpow2.f32 v37;
	v35 =	vpop (erf)  }
0x3b: {  	v57 =	vmul.f32 $1.442695020e+00, v27;
	v46 =	vld.idx.msk [tilespmem:v53+s2+$0x0], $0xffff;
	(erf) = vpow2.f32 v36;
	v49 =	vadd.f32 v35, v49;
	v27 =	vpop (erf)  }
0x3c: {  	v58 =	vld.idx.msk [tilespmem:v48+s2+$0x0], $0xffff;
	v9 =	vmul.f32 $1.442695020e+00, v9;
	v34 =	vadd.f32 v17, v34;
	(erf) = vpow2.f32 v56;
	v36 =	vpop (erf)  }
0x3d: {  	v59 =	vmul.f32 $1.442695020e+00, v26;
	(erf) = vpow2.f32 v57;
	v49 =	vadd.f32 v36, v49;
	v26 =	vpop (erf)  }
0x3e: {  	v41 =	vadd.f32 v18, v41;
	v60 =	vld.idx.msk [tilespmem:v55+s2+$0x0], $0xffff;
	v44 =	vmul.f32 $1.442695020e+00, v54;
	(erf) = vpow2.f32 v43;
	v37 =	vpop (erf)  }
0x3f: {  	v62 =	vld.idx.msk [tilespmem:v19+s2+$0x0], $0xffff;
	v52 =	vmul.f32 $1.442695020e+00, v23;
	(erf) = vpow2.f32 v59;
	v19 =	vadd.f32 v37, v49  }
0x40: {  	v55 =	vor.u32 $0xA, v7;
	v46 =	vmul.f32 $1.442695020e+00, v46;
	(erf) = vpow2.f32 v44;
	v44 =	vld.idx.msk [tilespmem:v50+s2+$0x0], $0xffff  }
0x41: {  	v42 =	vadd.f32 v20, v42;
	v23 =	vpop (erf);
	(erf) = vpow2.f32 v52;
	v52 =	vld.idx.msk [tilespmem:v16+s2+$0x0], $0xffff;
	v16 =	vmul.f32 $1.442695020e+00, v58  }
0x42: {  	v34 =	vadd.f32 v32, v34;
	v21 =	vadd.f32 v39, v21;
	v57 =	vld.idx.msk [tilespmem:v15+s2+$0x0], $0xffff;
	v50 =	vor.u32 $0x19, v0;
	v53 =	vpop (erf)  }
0x43: {  	v51 =	vld.idx.msk [tilespmem:v51+s2+$0x0], $0xffff;
	v41 =	vadd.f32 v33, v41;
	v63 =	vadd.f32 v53, v19;
	v19 =	vpop (erf);
	(erf) = vpow2.f32 v46  }
0x44: {  	v48 =	vmul.f32 $1.442695020e+00, v62;
	v59 =	vor.u32 $0x1A, v0;
	v58 =	vmul.f32 $1.442695020e+00, v60;
	v56 =	vpop (erf)  }
0x45: {  	v47 =	vld.idx.msk [tilespmem:v61+s2+$0x0], $0xffff;
	(erf) = vpow2.f32 v16;
	v61 =	vmul.f32 $1.442695020e+00, v44;
	v15 =	vadd.f32 v56, v63;
	v16 =	vpop (erf)  }
0x46: {  	v54 =	vor.u32 $0x9, v5;
	v60 =	vld.idx.msk [tilespmem:v14+s2+$0x0], $0xffff;
	v52 =	vmul.f32 $1.442695020e+00, v52;
	v43 =	vpop (erf);
	(erf) = vpow2.f32 v58  }
0x47: {  	v57 =	vmul.f32 $1.442695020e+00, v57;
	v50 =	vld.idx.msk [tilespmem:v50+s2+$0x0], $0xffff;
	v14 =	vadd.f32 v43, v15;
	v3 =	vpop (erf);
	(erf) = vpow2.f32 v48  }
0x48: {  	v22 =	vadd.f32 v38, v22;
	v48 =	vmul.f32 $1.442695020e+00, v51;
	v44 =	vpop (erf);
	(erf) = vpow2.f32 v61  }
0x49: {  	v59 =	vld.idx.msk [tilespmem:v59+s2+$0x0], $0xffff;
	v58 =	vor.u32 $0x1B, v0;
	v51 =	vadd.f32 v44, v14;
	v15 =	vpop (erf);
	(erf) = vpow2.f32 v52  }
0x4a: {  	v47 =	vmul.f32 $1.442695020e+00, v47;
	v61 =	vor.u32 $0x1C, v0;
	v52 =	vpop (erf);
	(erf) = vpow2.f32 v48  }
0x4b: {  	v48 =	vmul.f32 $1.442695020e+00, v60;
	v51 =	vadd.f32 v52, v51;
	v14 =	vpop (erf);
	(erf) = vpow2.f32 v57  }
0x4c: {  	v42 =	vadd.f32 v30, v42;
	v50 =	vmul.f32 $1.442695020e+00, v50;
	v60 =	vpop (erf);
	(erf) = vpow2.f32 v47  }
0x4d: {  	v12 =	vld.idx.msk [tilespmem:v12+s2+$0x0], $0xffff;
	v21 =	vadd.f32 v53, v21;
	v51 =	vadd.f32 v60, v51;
	(erf) = vpow2.f32 v48  }
0x4e: {  	v34 =	vadd.f32 v28, v34;
	v47 =	vld.idx.msk [tilespmem:v58+s2+$0x0], $0xffff;
	v58 =	vpop (erf);
	(erf) = vpow2.f32 v50;
	v50 =	vmul.f32 $1.442695020e+00, v59  }
0x4f: {  	v45 =	vor.u32 $0xA, v6;
	v21 =	vadd.f32 v56, v21;
	v48 =	vld.idx.msk [tilespmem:v61+s2+$0x0], $0xffff;
	v51 =	vadd.f32 v58, v51  }
0x50: {  	v49 =	vor.u32 $0x9, v7;
	v29 =	vadd.f32 v37, v29;
	v22 =	vadd.f32 v53, v22;
	v59 =	vpop (erf)  }
0x51: {  	v21 =	vadd.f32 v43, v21;
	(erf) = vpow2.f32 v13;
	v13 =	vpop (erf);
	v51 =	vadd.f32 v59, v51  }
0x52: {  	v29 =	vadd.f32 v52, v29;
	v61 =	vmul.f32 $1.442695020e+00, v12;
	(erf) = vpow2.f32 v50;
	v50 =	vpop (erf)  }
0x53: {  	v22 =	vadd.f32 v60, v22;
	v47 =	vmul.f32 $1.442695020e+00, v47;
	v51 =	vadd.f32 v50, v51;
	v12 =	vpop (erf)  }
0x54: {  	v0 =	vld.idx.msk [tilespmem:v11+s2+$0x0], $0xffff;
	(erf) = vpow2.f32 v61;
	v61 =	vmul.f32 $1.442695020e+00, v48;
	v48 =	vadd.f32 v27, v41;
	v1 =	vpop (erf)  }
0x55: {  	v22 =	vadd.f32 v58, v22;
	(erf) = vpow2.f32 v47;
	v47 =	vadd.f32 v26, v42;
	v11 =	vpop (erf)  }
0x56: {  	v46 =	vor.u32 $0x9, v6;
	v51 =	vadd.f32 v1, v51;
	v48 =	vadd.f32 v19, v48;
	v41 =	vpop (erf)  }
0x57: {  	v29 =	vadd.f32 v50, v29;
	(erf) = vpow2.f32 v61;
	v47 =	vadd.f32 v16, v47;
	v2 =	vpop (erf)  }
0x58: {  	(erf) = vpow2.f32 v10;
	v10 =	vadd.f32 v41, v51;
	v48 =	vadd.f32 v15, v48;
	[tilespmem:$0x1FEB0] =	vst v2  }
0x59: {  	v0 =	vmul.f32 $1.442695020e+00, v0;
	v47 =	vadd.f32 v14, v47;
	v42 =	vld.idx.msk [tilespmem:v49+s2+$0x0], $0xffff;
	v49 =	vadd.f32 v39, v8  }
0x5a: {  	v39 =	vpop (erf);
	(erf) = vpow2.f32 v9;
	v9 =	vadd.f32 v40, v24;
	v24 =	vadd.f32 v35, v25  }
0x5b: {  	v62 =	vor.u32 $0xA, v5;
	v48 =	vadd.f32 v12, v48;
	v10 =	vadd.f32 v39, v10  }
0x5c: {  	v61 =	vpop (erf);
	(erf) = vpow2.f32 v0;
	v0 =	vadd.f32 v36, v31;
	v29 =	vadd.f32 v39, v29  }
0x5d: {  	v63 =	vor.u32 $0xB, v6;
	v46 =	vld.idx.msk [tilespmem:v46+s2+$0x0], $0xffff;
	v47 =	vadd.f32 v11, v47;
	[tilespmem:$0x1FEE0] =	vst v61;
	v38 =	vadd.f32 v38, v49  }
0x5e: {  	v57 =	vor.u32 $0xB, v7;
	v31 =	vpop (erf);
	v9 =	vadd.f32 v56, v9;
	v24 =	vadd.f32 v43, v24;
	v25 =	vld.idx.msk [tilespmem:v54+s2+$0x0], $0xffff  }
0x5f: {  	v49 =	vor.u32 $0xB, v5;
	v48 =	vadd.f32 v61, v48;
	v51 =	vadd.f32 v31, v10  }
0x60: {  	v4 =	vpop (erf);
	v0 =	vadd.f32 v44, v0;
	v38 =	vadd.f32 v40, v38;
	v40 =	vor.u32 $0xC, v7  }
0x61: {  	v54 =	vpop (erf);
	v9 =	vadd.f32 v60, v9;
	v24 =	vadd.f32 v58, v24;
	v42 =	vmul.f32 $1.442695020e+00, v42  }
0x62: {  	v58 =	vadd.f32 v59, v22;
	v46 =	vmul.f32 $1.442695020e+00, v46;
	v51 =	vadd.f32 v54, v51  }
0x63: {  	[tilespmem:$0x1FF10] =	vst v4;
	v0 =	vadd.f32 v59, v0;
	(erf) = vpow2.f32 v42;
	v25 =	vmul.f32 $1.442695020e+00, v25  }
0x64: {  	v53 =	vld.idx.msk [tilespmem:v55+s2+$0x0], $0xffff;
	v35 =	vadd.f32 v35, v38;
	v9 =	vadd.f32 v1, v9;
	(erf) = vpow2.f32 v46  }
0x65: {  	v56 =	vpop (erf);
	v59 =	vld.idx.msk [tilespmem:v63+s2+$0x0], $0xffff;
	v1 =	vadd.f32 v1, v24;
	(erf) = vpow2.f32 v25;
	v25 =	vadd.f32 v44, v21  }
0x66: {  	v55 =	vor.u32 $0xC, v5;
	v42 =	vld.idx.msk [tilespmem:v45+s2+$0x0], $0xffff;
	v51 =	vadd.f32 v56, v51;
	v0 =	vadd.f32 v41, v0  }
0x67: {  	v45 =	vor.u32 $0xC, v6;
	v46 =	vld.idx.msk [tilespmem:v62+s2+$0x0], $0xffff;
	v9 =	vadd.f32 v41, v9;
	v8 =	vadd.f32 v52, v25  }
0x68: {  	v63 =	vor.u32 $0xD, v7;
	v24 =	vadd.f32 v36, v35;
	v62 =	vld.idx.msk [tilespmem:v57+s2+$0x0], $0xffff;
	v1 =	vadd.f32 v31, v1  }
0x69: {  	v0 =	vadd.f32 v31, v0;
	v60 =	vmul.f32 $1.442695020e+00, v53;
	[tilespmem:$0x1FE70] =	vst v8;
	v8 =	vadd.f32 v39, v9  }
0x6a: {  	v21 =	vadd.f32 v37, v24;
	(erf) = vrcp.f32 v51;
	v52 =	vor.u32 $0xD, v6;
	v51 =	vld.idx.msk [tilespmem:v49+s2+$0x0], $0xffff  }
0x6b: {  	v24 =	vadd.f32 v50, v58;
	v53 =	vor.u32 $0xD, v5;
	v42 =	vmul.f32 $1.442695020e+00, v42;
	v40 =	vld.idx.msk [tilespmem:v40+s2+$0x0], $0xffff;
	[tilespmem:$0x1FE80] =	vst v8  }
0x6c: {  	v50 =	vor.u32 $0xE, v5;
	(erf) = vpow2.f32 v60;
	v57 =	vmul.f32 $1.442695020e+00, v46;
	v9 =	vld.idx.msk [tilespmem:v45+s2+$0x0], $0xffff  }
0x6d: {  	v31 =	vor.u32 $0xE, v7;
	v35 =	vmul.f32 $1.442695020e+00, v62;
	(erf) = vpow2.f32 v42;
	v38 =	vld.idx.msk [tilespmem:v55+s2+$0x0], $0xffff  }
0x6e: {  	v60 =	vor.u32 $0xE, v6;
	(erf) = vpow2.f32 v57;
	v49 =	vmul.f32 $1.442695020e+00, v59;
	v62 =	vld.idx.msk [tilespmem:v63+s2+$0x0], $0xffff  }
0x6f: {  	v29 =	vadd.f32 v54, v29;
	(erf) = vpow2.f32 v35;
	v35 =	vor.u32 $0xF, v7;
	v63 =	vld.idx.msk [tilespmem:v52+s2+$0x0], $0xffff  }
0x70: {  	v59 =	vor.u32 $0xF, v6;
	v57 =	vpop (erf);
	v43 =	vld.idx.msk [tilespmem:v53+s2+$0x0], $0xffff;
	(erf) = vpow2.f32 v49;
	v41 =	vmul.f32 $1.442695020e+00, v51  }
0x71: {  	v45 =	vor.u32 $0xF, v5;
	v37 =	vld.idx.msk [tilespmem:v50+s2+$0x0], $0xffff;
	v55 =	vpop (erf);
	v40 =	vmul.f32 $1.442695020e+00, v40;
	v9 =	vmul.f32 $1.442695020e+00, v9  }
0x72: {  	v44 =	vor.u32 $0x10, v5;
	v53 =	vpop (erf);
	(erf) = vpow2.f32 v41;
	v41 =	vld.idx.msk [tilespmem:v31+s2+$0x0], $0xffff;
	v31 =	vmul.f32 $1.442695020e+00, v38  }
0x73: {  	v52 =	vpop (erf);
	v38 =	vld.idx.msk [tilespmem:v60+s2+$0x0], $0xffff;
	v60 =	vor.u32 $0x10, v7;
	v62 =	vmul.f32 $1.442695020e+00, v62;
	(erf) = vpow2.f32 v40  }
0x74: {  	v51 =	vpop (erf);
	v35 =	vld.idx.msk [tilespmem:v35+s2+$0x0], $0xffff;
	v63 =	vmul.f32 $1.442695020e+00, v63;
	(erf) = vpow2.f32 v9;
	v9 =	vor.u32 $0x10, v6  }
0x75: {  	v25 =	vadd.f32 v54, v1;
	v58 =	vld.idx.msk [tilespmem:v59+s2+$0x0], $0xffff;
	v50 =	vpop (erf);
	v43 =	vmul.f32 $1.442695020e+00, v43;
	(erf) = vpow2.f32 v31  }
0x76: {  	v59 =	vor.u32 $0x11, v7;
	v37 =	vmul.f32 $1.442695020e+00, v37;
	v40 =	vld.idx.msk [tilespmem:v45+s2+$0x0], $0xffff;
	(erf) = vpow2.f32 v62;
	v31 =	vpop (erf)  }
0x77: {  	v36 =	vmul.f32 $1.442695020e+00, v41;
	v41 =	vor.u32 $0x11, v6;
	(erf) = vpow2.f32 v63;
	v49 =	vpop (erf)  }
0x78: {  	v39 =	vld.idx.msk [tilespmem:v60+s2+$0x0], $0xffff;
	v38 =	vmul.f32 $1.442695020e+00, v38;
	v60 =	vor.u32 $0x11, v5;
	(erf) = vpow2.f32 v43;
	v46 =	vpop (erf)  }
0x79: {  	v8 =	vadd.f32 v56, v29;
	v1 =	vmul.f32 $1.442695020e+00, v35;
	v9 =	vld.idx.msk [tilespmem:v9+s2+$0x0], $0xffff;
	(erf) = vpow2.f32 v36;
	v45 =	vpop (erf)  }
0x7a: {  	v17 =	vadd.f32 v57, v17;
	v35 =	vld.idx.msk [tilespmem:v44+s2+$0x0], $0xffff;
	(erf) = vpow2.f32 v38;
	v44 =	vpop (erf);
	v38 =	vmul.f32 $1.442695020e+00, v58  }
0x7b: {  	v54 =	vld.idx.msk [tilespmem:v59+s2+$0x0], $0xffff;
	v62 =	vor.u32 $0x12, v7;
	(erf) = vpow2.f32 v37;
	v43 =	vpop (erf);
	v37 =	vmul.f32 $1.442695020e+00, v40  }
0x7c: {  	v18 =	vadd.f32 v55, v18;
	v58 =	vor.u32 $0x12, v6;
	v59 =	vld.idx.msk [tilespmem:v41+s2+$0x0], $0xffff;
	(erf) = vpow2.f32 v1;
	v42 =	vpop (erf)  }
0x7d: {  	v63 =	vor.u32 $0x12, v5;
	v1 =	vld.idx.msk [tilespmem:v60+s2+$0x0], $0xffff;
	v60 =	vmul.f32 $1.442695020e+00, v39;
	(erf) = vpow2.f32 v38;
	v41 =	vpop (erf)  }
0x7e: {  	v36 =	vadd.f32 v56, v0;
	v0 =	vmul.f32 $1.442695020e+00, v9;
	(erf) = vpow2.f32 v37;
	v40 =	vpop (erf)  }
0x7f: {  	v29 =	vmul.f32 $1.442695020e+00, v35;
	v39 =	vor.u32 $0x13, v7;
	(erf) = vpow2.f32 v60;
	v37 =	vpop (erf)  }
0x80: {  	v56 =	vadd.f32 v23, v34;
	v54 =	vmul.f32 $1.442695020e+00, v54;
	v62 =	vld.idx.msk [tilespmem:v62+s2+$0x0], $0xffff;
	[tilespmem:$0x1FE90] =	vst v8;
	(erf) = vpow2.f32 v0;
	v34 =	vpop (erf)  }
0x81: {  	v20 =	vadd.f32 v53, v20;
	v58 =	vld.idx.msk [tilespmem:v58+s2+$0x0], $0xffff;
	v0 =	vor.u32 $0x13, v6;
	[tilespmem:$0x1FEC0] =	vst v34;
	(erf) = vpow2.f32 v29  }
0x82: {  	v28 =	vadd.f32 v52, v28;
	v22 =	vpop (erf);
	v60 =	vld.idx.msk [tilespmem:v63+s2+$0x0], $0xffff;
	(erf) = vpow2.f32 v54;
	v54 =	vor.u32 $0x13, v5  }
0x83: {  	v27 =	vadd.f32 v51, v27;
	v23 =	vadd.f32 v49, v23;
	v59 =	vmul.f32 $1.442695020e+00, v59;
	[tilespmem:$0x1FED0] =	vst v22  }
0x84: {  	v19 =	vadd.f32 v46, v19;
	v16 =	vadd.f32 v45, v16;
	v1 =	vmul.f32 $1.442695020e+00, v1;
	v8 =	vpop (erf);
	v39 =	vld.idx.msk [tilespmem:v39+s2+$0x0], $0xffff  }
0x85: {  	v56 =	vadd.f32 v3, v56;
	v35 =	vmul.f32 $1.442695020e+00, v62;
	(erf) = vpow2.f32 v59;
	[tilespmem:$0x1FF00] =	vst v8  }
0x86: {  	v10 =	vmovc v3;
	v59 =	vor.u32 $0x14, v7;
	(erf) = vpow2.f32 v1;
	v58 =	vmul.f32 $1.442695020e+00, v58;
	v1 =	vld.idx.msk [tilespmem:v0+s2+$0x0], $0xffff  }
0x87: {  	v56 =	vadd.f32 v13, v56;
	v62 =	vor.u32 $0x14, v6;
	v3 =	vpop (erf);
	v60 =	vmul.f32 $1.442695020e+00, v60;
	v54 =	vld.idx.msk [tilespmem:v54+s2+$0x0], $0xffff  }
0x88: {  	v13 =	vadd.f32 v41, v13;
	v12 =	vadd.f32 v40, v12;
	v63 =	vpop (erf);
	(erf) = vpow2.f32 v35  }
0x89: {  	v29 =	vmovc v14;
	v35 =	vmovc v15;
	v0 =	vor.u32 $0x15, v7;
	(erf) = vpow2.f32 v58;
	v39 =	vmul.f32 $1.442695020e+00, v39  }
0x8a: {  	v27 =	vadd.f32 v63, v27;
	v15 =	vadd.f32 v44, v10;
	v58 =	vpop (erf);
	(erf) = vpow2.f32 v60  }
0x8b: {  	v14 =	vadd.f32 v43, v35;
	v59 =	vld.idx.msk [tilespmem:v59+s2+$0x0], $0xffff;
	v1 =	vmul.f32 $1.442695020e+00, v1;
	v60 =	vpop (erf);
	(erf) = vpow2.f32 v39  }
0x8c: {  	v62 =	vld.idx.msk [tilespmem:v62+s2+$0x0], $0xffff;
	v39 =	vadd.f32 v2, v56;
	v56 =	vor.u32 $0x14, v5;
	v38 =	vmul.f32 $1.442695020e+00, v54  }
0x8d: {  	v54 =	vpop (erf);
	(erf) = vpow2.f32 v1;
	v1 =	vadd.f32 v55, v48;
	v55 =	vadd.f32 v55, v33  }
0x8e: {  	v23 =	vadd.f32 v60, v23;
	v39 =	vadd.f32 v57, v39  }
0x8f: {  	v57 =	vadd.f32 v57, v32;
	v32 =	vadd.f32 v4, v47;
	v48 =	vpop (erf);
	(erf) = vpow2.f32 v38  }
0x90: {  	v0 =	vld.idx.msk [tilespmem:v0+s2+$0x0], $0xffff;
	v38 =	vmul.f32 $1.442695020e+00, v59;
	v59 =	vor.u32 $0x15, v6;
	v61 =	vadd.f32 v52, v39  }
0x91: {  	v62 =	vmul.f32 $1.442695020e+00, v62;
	v4 =	vadd.f32 v52, v17;
	v19 =	vadd.f32 v54, v19;
	v39 =	vld.idx.msk [tilespmem:v56+s2+$0x0], $0xffff  }
0x92: {  	v2 =	vor.u32 $0x15, v5;
	v56 =	vadd.f32 v53, v32;
	v33 =	vadd.f32 v49, v61  }
0x93: {  	v47 =	vpop (erf);
	(erf) = vpow2.f32 v38;
	v38 =	vadd.f32 v51, v1;
	v53 =	vadd.f32 v53, v30  }
0x94: {  	v9 =	vpop (erf);
	(erf) = vpow2.f32 v62;
	v62 =	vor.u32 $0x16, v7;
	v30 =	vadd.f32 v44, v33  }
0x95: {  	v16 =	vadd.f32 v48, v16;
	v1 =	vor.u32 $0x16, v6;
	v33 =	vadd.f32 v46, v38;
	v59 =	vld.idx.msk [tilespmem:v59+s2+$0x0], $0xffff  }
0x96: {  	v0 =	vmul.f32 $1.442695020e+00, v0;
	v39 =	vmul.f32 $1.442695020e+00, v39;
	v30 =	vadd.f32 v41, v30  }
0x97: {  	v52 =	vor.u32 $0x16, v5;
	v57 =	vadd.f32 v3, v57;
	v61 =	vadd.f32 v43, v33  }
0x98: {  	v2 =	vld.idx.msk [tilespmem:v2+s2+$0x0], $0xffff;
	v32 =	vpop (erf);
	(erf) = vpow2.f32 v39;
	v17 =	vadd.f32 v34, v30;
	v30 =	vadd.f32 v50, v56  }
0x99: {  	v39 =	vadd.f32 v40, v61;
	v56 =	vld.idx.msk [tilespmem:v62+s2+$0x0], $0xffff;
	v34 =	vor.u32 $0x17, v7;
	v62 =	vor.u32 $0x17, v6  }
0x9a: {  	v1 =	vld.idx.msk [tilespmem:v1+s2+$0x0], $0xffff;
	v59 =	vmul.f32 $1.442695020e+00, v59;
	v17 =	vadd.f32 v3, v17;
	v30 =	vadd.f32 v45, v30  }
0x9b: {  	v33 =	vpop (erf);
	(erf) = vpow2.f32 v0;
	v3 =	vadd.f32 v3, v28;
	v39 =	vadd.f32 v22, v39  }
0x9c: {  	v28 =	vpop (erf);
	(erf) = vpow2.f32 v59;
	v59 =	vadd.f32 v51, v18;
	v18 =	vadd.f32 v42, v30  }
0x9d: {  	v2 =	vmul.f32 $1.442695020e+00, v2;
	v30 =	vadd.f32 v63, v39;
	v39 =	vld.idx.msk [tilespmem:v52+s2+$0x0], $0xffff;
	v52 =	vadd.f32 v63, v55  }
0x9e: {  	v55 =	vld.idx.msk [tilespmem:v34+s2+$0x0], $0xffff;
	v56 =	vmul.f32 $1.442695020e+00, v56;
	v51 =	vadd.f32 v37, v18;
	v18 =	vor.u32 $0x17, v5  }
0x9f: {  	v4 =	vadd.f32 v49, v4;
	v22 =	vpop (erf);
	v1 =	vmul.f32 $1.442695020e+00, v1;
	(erf) = vpow2.f32 v2  }
0xa0: {  	v17 =	vadd.f32 v60, v17;
	v63 =	vor.u32 $0x18, v7;
	v34 =	vpop (erf);
	(erf) = vpow2.f32 v56  }
0xa1: {  	v62 =	vld.idx.msk [tilespmem:v62+s2+$0x0], $0xffff;
	v38 =	vpop (erf);
	v56 =	vadd.f32 v50, v26;
	(erf) = vpow2.f32 v1;
	v1 =	vadd.f32 v50, v20  }
0xa2: {  	v20 =	vadd.f32 v8, v51;
	v50 =	vadd.f32 v47, v17;
	v39 =	vmul.f32 $1.442695020e+00, v39  }
0xa3: {  	v49 =	vor.u32 $0x18, v5;
	v0 =	vor.u32 $0x18, v6;
	v55 =	vmul.f32 $1.442695020e+00, v55;
	v18 =	vld.idx.msk [tilespmem:v18+s2+$0x0], $0xffff  }
0xa4: {  	v61 =	vpop (erf);
	v20 =	vadd.f32 v58, v20;
	(erf) = vpow2.f32 v39;
	v39 =	vadd.f32 v33, v50  }
0xa5: {  	v50 =	vadd.f32 v58, v53;
	v53 =	vpop (erf);
	(erf) = vpow2.f32 v55;
	v55 =	vadd.f32 v58, v56  }
0xa6: {  	v56 =	vadd.f32 v60, v57;
	v58 =	vor.u32 $0x19, v7;
	v60 =	vmul.f32 $1.442695020e+00, v62  }
0xa7: {  	v15 =	vadd.f32 v47, v15;
	v57 =	vld.idx.msk [tilespmem:v63+s2+$0x0], $0xffff;
	v39 =	vadd.f32 v34, v39  }
0xa8: {  	v30 =	vadd.f32 v54, v30;
	v0 =	vld.idx.msk [tilespmem:v0+s2+$0x0], $0xffff;
	v3 =	vadd.f32 v53, v3;
	v18 =	vmul.f32 $1.442695020e+00, v18  }
0xa9: {  	v39 =	vadd.f32 v53, v39;
	v53 =	vadd.f32 v53, v23;
	v23 =	vpop (erf);
	(erf) = vpow2.f32 v60  }
0xaa: {  	v30 =	vadd.f32 v9, v30;
	v60 =	vpop (erf);
	(erf) = vpow2.f32 v18;
	v18 =	vadd.f32 v46, v59;
	v46 =	vld.idx.msk [tilespmem:v49+s2+$0x0], $0xffff  }
0xab: {  	v14 =	vadd.f32 v9, v14;
	v4 =	vadd.f32 v44, v4;
	v49 =	vld.idx.msk [tilespmem:v58+s2+$0x0], $0xffff;
	v58 =	vor.u32 $0x19, v6  }
0xac: {  	v13 =	vadd.f32 v33, v13;
	v30 =	vadd.f32 v28, v30;
	v57 =	vmul.f32 $1.442695020e+00, v57  }
0xad: {  	v12 =	vadd.f32 v28, v12;
	v1 =	vadd.f32 v45, v1;
	v0 =	vmul.f32 $1.442695020e+00, v0  }
0xae: {  	v20 =	vadd.f32 v48, v20;
	v30 =	vadd.f32 v38, v30;
	v59 =	vor.u32 $0x19, v5  }
0xaf: {  	v1 =	vadd.f32 v42, v1;
	v45 =	vadd.f32 v48, v50;
	v62 =	vpop (erf);
	(erf) = vpow2.f32 v57  }
0xb0: {  	v20 =	vadd.f32 v32, v20;
	v57 =	vpop (erf);
	(erf) = vpow2.f32 v0;
	v0 =	vadd.f32 v54, v52;
	v54 =	vld.idx.msk [tilespmem:v58+s2+$0x0], $0xffff  }
0xb1: {  	v48 =	vor.u32 $0x1A, v6;
	v44 =	vadd.f32 v47, v56;
	v46 =	vmul.f32 $1.442695020e+00, v46  }
0xb2: {  	v63 =	vor.u32 $0x1A, v7;
	v20 =	vadd.f32 v22, v20;
	v30 =	vadd.f32 v23, v30;
	v58 =	vpop (erf)  }
0xb3: {  	v27 =	vadd.f32 v23, v27;
	(erf) = vpow2.f32 v46;
	v46 =	vadd.f32 v23, v19;
	v19 =	vld.idx.msk [tilespmem:v59+s2+$0x0], $0xffff;
	v59 =	vpop (erf)  }
0xb4: {  	v55 =	vadd.f32 v60, v55;
	v39 =	vadd.f32 v62, v39;
	v49 =	vmul.f32 $1.442695020e+00, v49;
	v50 =	vpop (erf)  }
0xb5: {  	v20 =	vadd.f32 v61, v20;
	v52 =	vor.u32 $0x1A, v5;
	v2 =	vpop (erf);
	v54 =	vmul.f32 $1.442695020e+00, v54  }
0xb6: {  	v47 =	vld.idx.msk [tilespmem:v48+s2+$0x0], $0xffff;
	v48 =	vadd.f32 v62, v15;
	(erf) = vpow2.f32 v49;
	v39 =	vadd.f32 v59, v39;
	v23 =	vpop (erf)  }
0xb7: {  	v3 =	vadd.f32 v62, v3;
	v10 =	vpop (erf);
	(erf) = vpow2.f32 v54;
	v54 =	vor.u32 $0x1B, v7  }
0xb8: {  	v62 =	vor.u32 $0x1B, v6;
	v20 =	vadd.f32 v60, v20;
	v49 =	vld.idx.msk [tilespmem:v63+s2+$0x0], $0xffff;
	v39 =	vadd.f32 v23, v39;
	v17 =	vpop (erf)  }
0xb9: {  	v60 =	vadd.f32 v60, v16;
	v18 =	vadd.f32 v43, v18;
	v56 =	vpop (erf)  }
0xba: {  	v6 =	vor.u32 $0x1C, v6;
	v30 =	vadd.f32 v57, v30;
	v52 =	vld.idx.msk [tilespmem:v52+s2+$0x0], $0xffff;
	v39 =	vadd.f32 v56, v39  }
0xbb: {  	v53 =	vadd.f32 v56, v53;
	v48 =	vadd.f32 v56, v48;
	v56 =	vor.u32 $0x1B, v5  }
0xbc: {  	v35 =	vmul.f32 $1.442695020e+00, v47;
	v51 =	vmul.f32 $1.442695020e+00, v19;
	v7 =	vor.u32 $0x1C, v7;
	v63 =	vld.idx.msk [tilespmem:v54+s2+$0x0], $0xffff  }
0xbd: {  	v14 =	vadd.f32 v57, v14;
	v8 =	vadd.f32 v9, v0;
	v0 =	vld.idx.msk [tilespmem:v62+s2+$0x0], $0xffff;
	v49 =	vmul.f32 $1.442695020e+00, v49  }
0xbe: {  	v27 =	vadd.f32 v57, v27;
	(erf) = vpow2.f32 v51;
	v5 =	vor.u32 $0x1C, v5  }
0xbf: {  	v62 =	vadd.f32 v42, v29;
	v6 =	vld.idx.msk [tilespmem:v6+s2+$0x0], $0xffff;
	v52 =	vmul.f32 $1.442695020e+00, v52;
	(erf) = vpow2.f32 v49  }
0xc0: {  	v20 =	vadd.f32 v58, v20;
	v13 =	vadd.f32 v59, v13;
	(erf) = vpow2.f32 v35;
	v35 =	vpop (erf);
	v47 =	vld.idx.msk [tilespmem:v56+s2+$0x0], $0xffff  }
0xc1: {  	v3 =	vadd.f32 v59, v3;
	v57 =	vadd.f32 v35, v46;
	v7 =	vld.idx.msk [tilespmem:v7+s2+$0x0], $0xffff;
	v46 =	vmul.f32 $1.442695020e+00, v63  }
0xc2: {  	v30 =	vadd.f32 v50, v30;
	v0 =	vmul.f32 $1.442695020e+00, v0;
	(erf) = vpow2.f32 v52  }
0xc3: {  	v26 =	vadd.f32 v50, v12;
	v20 =	vadd.f32 v2, v20;
	v52 =	vpop (erf);
	v5 =	vld.idx.msk [tilespmem:v5+s2+$0x0], $0xffff;
	(erf) = vpow2.f32 v46  }
0xc4: {  	v30 =	vadd.f32 v10, v30;
	v63 =	vpop (erf);
	(erf) = vpow2.f32 v0;
	v0 =	vadd.f32 v32, v62  }
0xc5: {  	v6 =	vmul.f32 $1.442695020e+00, v6;
	v20 =	vadd.f32 v17, v20;
	v47 =	vmul.f32 $1.442695020e+00, v47  }
0xc6: {  	v30 =	vadd.f32 v35, v30;
	v7 =	vmul.f32 $1.442695020e+00, v7;
	v42 =	vpop (erf);
	v0 =	vadd.f32 v58, v0  }
0xc7: {  	v14 =	vadd.f32 v35, v14;
	v35 =	vadd.f32 v32, v45;
	v56 =	vpop (erf);
	(erf) = vpow2.f32 v47  }
0xc8: {  	v20 =	vadd.f32 v52, v20;
	v5 =	vmul.f32 $1.442695020e+00, v5;
	v45 =	vpop (erf);
	(erf) = vpow2.f32 v7  }
0xc9: {  	v39 =	vadd.f32 v63, v39;
	v58 =	vadd.f32 v58, v55;
	v55 =	vpop (erf);
	(erf) = vpow2.f32 v6  }
0xca: {  	v30 =	vadd.f32 v42, v30;
	v46 =	vadd.f32 v52, v0;
	v0 =	vpop (erf);
	(erf) = vpow2.f32 v5  }
0xcb: {  	v20 =	vadd.f32 v56, v20;
	v39 =	vadd.f32 v45, v39;
	v49 =	vpop (erf)  }
0xcc: {  	v9 =	vld [tilespmem:$0x1FE90];
	v7 =	vadd.f32 v52, v60;
	v30 =	vadd.f32 v55, v30;
	v15 =	vpop (erf)  }
0xcd: {  	v6 =	vadd.f32 v33, v44;
	v52 =	vadd.f32 v63, v53;
	v44 =	vpop (erf)  }
0xce: {  	v20 =	vadd.f32 v0, v20;
	v39 =	vadd.f32 v49, v39;
	v53 =	vpop (erf)  }
0xcf: {  	v33 =	vadd.f32 v40, v18;
	v5 =	vadd.f32 v15, v30;
	v62 =	vpop (erf)  }
0xd0: {  	v29 =	vmul.f32 v31, v25;
	v20 =	vadd.f32 v44, v20;
	v30 =	vadd.f32 v53, v39;
	v59 =	vpop (erf)  }
0xd1: {  	v18 =	vmul.f32 v31, v9;
	v9 =	vadd.f32 v42, v26;
	v5 =	vadd.f32 v62, v5;
	v25 =	vpop (erf)  }
0xd2: {  	v19 =	vadd.f32 v59, v20;
	v40 =	vpop (erf);
	v54 =	vadd.f32 v25, v30  }
0xd3: {  	v11 =	vadd.f32 v37, v11;
	v51 =	vpop (erf);
	v5 =	vadd.f32 v40, v5  }
0xd4: {  	v9 =	vadd.f32 v15, v9;
	(erf) = vrcp.f32 v54;
	v12 =	vadd.f32 v51, v19  }
0xd5: {  	(erf) = vrcp.f32 v5;
	v5 =	vadd.f32 v22, v11;
	v11 =	vadd.f32 v15, v14;
	v15 =	vld [tilespmem:$0x1FEC0]  }
0xd6: {  	(erf) = vrcp.f32 v12;
	v12 =	vld [tilespmem:$0x1FEB0];
	_ =	sdelay $0x1  }
0xd7: {  	v4 =	vadd.f32 v41, v4  }
0xd8: {  	v8 =	vadd.f32 v28, v8;
	v28 =	vadd.f32 v50, v27;
	v27 =	vld [tilespmem:$0x1FED0]  }
0xd9: {  	v14 =	vadd.f32 v37, v1;
	v1 =	vld [tilespmem:$0x1FEA0]  }
0xda: {  	v12 =	vadd.f32 v15, v12;
	v15 =	vadd.f32 v15, v4;
	v4 =	vld [tilespmem:$0x1FEE0];
	_ =	sdelay $0x3  }
0xdb: {  	v20 =	vadd.f32 v2, v58;
	v19 =	vshll.u32 v1, $0x3;
	v1 =	vadd.f32 v2, v5  }
0xdc: {  	v2 =	vadd.f32 v34, v6;
	v6 =	vadd.f32 v27, v4;
	v4 =	vld [tilespmem:$0x1FEF0]  }
0xdd: {  	v16 =	vld [tilespmem:$0x1FE70];
	_ =	sdelay $0x1  }
0xde: {  	v50 =	vadd.f32 v56, v7  }
0xdf: {  	v60 =	vld [tilespmem:$0x1FF00];
	v1 =	vadd.f32 v56, v1;
	v7 =	vadd.f32 v34, v12  }
0xe0: {  	v32 =	vmul.f32 v31, v21;
	v5 =	vadd.f32 v22, v35;
	v37 =	vshll.u32 v4, $0x3;
	v4 =	vld [tilespmem:$0x1FF10]  }
0xe1: {  	v21 =	vmul.f32 v31, v16;
	v16 =	vld [tilespmem:$0x1FE80];
	v35 =	vadd.f32 v44, v1;
	v1 =	vadd.f32 v23, v7  }
0xe2: {  	v22 =	vld [tilespmem:$0x1FF30];
	v6 =	vadd.f32 v38, v6  }
0xe3: {  	v13 =	vadd.f32 v63, v13;
	v1 =	vadd.f32 v45, v1  }
0xe4: {  	v63 =	vadd.f32 v23, v3;
	v3 =	vadd.f32 v10, v6  }
0xe5: {  	v43 =	vmul.f32 v31, v24;
	v1 =	vadd.f32 v53, v1;
	v7 =	vadd.f32 v60, v4;
	v4 =	vld [tilespmem:$0x1FF20]  }
0xe6: {  	v26 =	vadd.f32 v42, v57;
	v24 =	vmul.f32 v31, v16;
	v3 =	vadd.f32 v55, v3  }
0xe7: {  	v16 =	vshll.u32 v22, $0x3;
	v22 =	vadd.f32 v25, v1;
	v1 =	vadd.f32 v38, v8  }
0xe8: {  	v8 =	vadd.f32 v62, v3;
	v3 =	vadd.f32 v10, v28  }
0xe9: {  	v36 =	vmul.f32 v31, v36;
	v13 =	vadd.f32 v49, v13;
	v10 =	vadd.f32 v55, v26  }
0xea: {  	v52 =	vadd.f32 v45, v52;
	v47 =	vadd.f32 v49, v48;
	[tilespmem:$0x1FF40] =	vst v3;
	v4 =	vshll.u32 v4, $0x3  }
0xeb: {  	v13 =	vadd.f32 v25, v13;
	v30 =	vor.u32 $0x1, v19;
	[tilespmem:$0x1FF50] =	vst v10;
	v10 =	vor.u32 $0x2, v4  }
0xec: {  	v31 =	vor.u32 $0x2, v19;
	v25 =	vadd.f32 v40, v8;
	v8 =	vor.u32 $0x3, v4;
	[tilespmem:$0x1FF60] =	vst v10  }
0xed: {  	v48 =	vor.u32 $0x3, v19;
	v49 =	vor.u32 $0x4, v19;
	[tilespmem:$0x1FF70] =	vst v8;
	v8 =	vor.u32 $0x4, v4  }
0xee: {  	v57 =	vor.u32 $0x6, v19;
	v56 =	vor.u32 $0x5, v19;
	v34 =	vadd.f32 v62, v11;
	[tilespmem:$0x1FF80] =	vst v8  }
0xef: {  	v11 =	vpop (erf);
	v6 =	vadd.f32 v53, v47;
	[tilespmem:v19+s7+$0x0] =	vst.idx.msk $0xffff, v32;
	v19 =	vadd.f32 v61, v5;
	v5 =	vor.u32 $0x5, v4  }
0xf0: {  	v12 =	vadd.f32 v44, v46;
	v2 =	vmul.f32 v11, v2;
	v7 =	vadd.f32 v61, v7;
	[tilespmem:$0x1FF90] =	vst v5  }
0xf1: {  	v6 =	vmul.f32 v11, v6;
	v28 =	vadd.f32 v40, v9;
	v5 =	vor.u32 $0x6, v4;
	[tilespmem:v30+s7+$0x0] =	vst.idx.msk $0xffff, v21  }
0xf2: {  	v26 =	vadd.f32 v60, v14;
	v9 =	vmul.f32 v11, v52;
	v14 =	vadd.f32 v17, v7;
	[tilespmem:$0x1FFA0] =	vst v5  }
0xf3: {  	v3 =	vor.u32 $0x1, v16;
	v7 =	vmul.f32 v11, v13;
	v10 =	vmul.f32 v11, v15;
	[tilespmem:v31+s7+$0x0] =	vst.idx.msk $0xffff, v43  }
0xf4: {  	v8 =	vmul.f32 v11, v63;
	v5 =	vmul.f32 v11, v22;
	v11 =	vadd.f32 v0, v14;
	[tilespmem:$0x1FFB0] =	vst v3  }
0xf5: {  	[tilespmem:v48+s7+$0x0] =	vst.idx.msk $0xffff, v24  }
0xf6: {  	v12 =	vadd.f32 v59, v12;
	[tilespmem:v49+s7+$0x0] =	vst.idx.msk $0xffff, v29  }
0xf7: {  	v27 =	vadd.f32 v27, v33;
	v33 =	vor.u32 $0x3, v16;
	v23 =	vor.u32 $0x1, v37;
	v13 =	vpop (erf);
	[tilespmem:v56+s7+$0x0] =	vst.idx.msk $0xffff, v36  }
0xf8: {  	v39 =	vor.u32 $0x2, v37;
	v15 =	vadd.f32 v0, v50;
	v0 =	vadd.f32 v59, v11;
	v11 =	vpop (erf);
	[tilespmem:v57+s7+$0x0] =	vst.idx.msk $0xffff, v18  }
0xf9: {  	v41 =	vor.u32 $0x3, v37;
	v44 =	vor.u32 $0x4, v37;
	v14 =	vadd.f32 v51, v35;
	[tilespmem:$0x1FFC0] =	vst v11  }
0xfa: {  	v45 =	vor.u32 $0x5, v37;
	v46 =	vor.u32 $0x6, v37;
	v17 =	vadd.f32 v17, v20;
	[tilespmem:$0x1FFD0] =	vst v16  }
0xfb: {  	v38 =	vor.u32 $0x1, v4;
	v32 =	vor.u32 $0x2, v16;
	v11 =	vor.u32 $0x6, v16;
	[tilespmem:$0x1FFF0] =	vst v14  }
0xfc: {  	s9 =	simm.s32 $0x0;
	s10 =	simm.s32 $0x70;
	v20 =	vmovc v13;
	v31 =	vor.u32 $0x4, v16;
	v36 =	vor.u32 $0x5, v16;
	[tilespmem:$0x1FFE0] =	vst v11;
	v11 =	vmul.f32 v13, v27  }
.LBB2_2:
0xfd: {  	[tilespmem:$0x1FA60] =	vst v15  }
0xfe: {  	[tilespmem:$0x1FBF0] =	vst v33  }
0xff: {  	[tilespmem:$0x1FC30] =	vst v36  }
0x100: {  	[tilespmem:$0x1FBC0] =	vst v32  }
0x101: {  	[tilespmem:$0x1FC10] =	vst v31  }
0x102: {  	[tilespmem:v37+s7+$0x0] =	vst.idx.msk $0xffff, v10  }
0x103: {  	[tilespmem:$0x1F950] =	vst v20  }
0x104: {  	[tilespmem:v4+s7+$0x0] =	vst.idx.msk $0xffff, v11  }
0x105: {  	[tilespmem:$0x1F990] =	vst v34  }
0x106: {  	[tilespmem:$0x1F9A0] =	vst v28  }
0x107: {  	v0 =	vadd.f32 v51, v0;
	[tilespmem:$0x1FA30] =	vst v17  }
0x108: {  	[tilespmem:$0x1FAA0] =	vst v12;
	v12 =	vlaneseq.u32  }
0x109: {  	v13 =	vld [tilespmem:$0x1FF90];
	s12 =	sadd.s32 $0xFFFFFFE0, s10;
	v18 =	vor.u32 s10, v12;
	[tilespmem:$0x1FB20] =	vst v0  }
0x10a: {  	v10 =	vor.u32 s12, v12;
	[tilespmem:$0x1FB80] =	vst v18  }
0x10b: {  	v1 =	vmul.f32 v20, v1;
	[tilespmem:$0x1FB50] =	vst v10  }
0x10c: {  	s13 =	sadd.s32 $0xFFFFFFF0, s10;
	v31 =	vshll.u32 v10, $0x5;
	[tilespmem:v23+s7+$0x0] =	vst.idx.msk $0xffff, v2  }
0x10d: {  	s11 =	sadd.s32 $0xFFFFFFD0, s10;
	v0 =	vor.u32 s13, v12;
	v30 =	vshll.u32 v18, $0x5;
	[tilespmem:v38+s7+$0x0] =	vst.idx.msk $0xffff, v1  }
0x10e: {  	v20 =	vor.u32 s11, v12;
	v2 =	vshll.u32 v0, $0x5;
	[tilespmem:$0x1FF90] =	vst v13  }
0x10f: {  	v3 =	vld [tilespmem:$0x1FFB0];
	v32 =	vshll.u32 v20, $0x5;
	[tilespmem:v39+s7+$0x0] =	vst.idx.msk $0xffff, v8;
	v10 =	vor.u32 $0x1, v2  }
0x110: {  	v13 =	vld [tilespmem:$0x1FF80];
	v8 =	vor.u32 $0x1, v32;
	[tilespmem:v41+s7+$0x0] =	vst.idx.msk $0xffff, v9  }
0x111: {  	v12 =	vor.u32 $0x1, v31;
	v15 =	vor.u32 $0x1, v30;
	[tilespmem:v44+s7+$0x0] =	vst.idx.msk $0xffff, v6;
	v6 =	vor.u32 $0x2, v2;
	v43 =	vld.idx.msk [tilespmem:v31+s2+$0x0], $0xffff  }
0x112: {  	v17 =	vor.u32 $0x2, v31;
	v34 =	vor.u32 $0x2, v30;
	v35 =	vor.u32 $0x3, v32;
	[tilespmem:v45+s7+$0x0] =	vst.idx.msk $0xffff, v7;
	v52 =	vld.idx.msk [tilespmem:v30+s2+$0x0], $0xffff  }
0x113: {  	v36 =	vor.u32 $0x3, v31;
	v18 =	vor.u32 $0x3, v30;
	v7 =	vor.u32 $0x3, v2;
	[tilespmem:v46+s7+$0x0] =	vst.idx.msk $0xffff, v5;
	v5 =	vld.idx.msk [tilespmem:v2+s2+$0x0], $0xffff  }
0x114: {  	[tilespmem:$0x1FB30] =	vst v20;
	v20 =	vor.u32 $0x4, v32;
	v23 =	vor.u32 $0x4, v31;
	v33 =	vor.u32 $0x5, v32;
	v4 =	vld.idx.msk [tilespmem:v10+s2+$0x0], $0xffff  }
0x115: {  	v29 =	vor.u32 $0x5, v31;
	v24 =	vor.u32 $0x4, v30;
	[tilespmem:$0x1FFB0] =	vst v3;
	v3 =	vor.u32 $0x4, v2;
	v1 =	vld.idx.msk [tilespmem:v8+s2+$0x0], $0xffff  }
0x116: {  	[tilespmem:$0x1F9B0] =	vst v25;
	v25 =	vor.u32 $0x6, v32;
	v28 =	vor.u32 $0x5, v30;
	v22 =	vor.u32 $0x7, v32;
	v10 =	vld.idx.msk [tilespmem:v6+s2+$0x0], $0xffff  }
0x117: {  	[tilespmem:$0x1F9D0] =	vst v26;
	v26 =	vor.u32 $0x6, v31;
	v27 =	vor.u32 $0x6, v30;
	v60 =	vor.u32 $0x5, v2;
	v11 =	vld.idx.msk [tilespmem:v12+s2+$0x0], $0xffff  }
0x118: {  	[tilespmem:$0x1FA00] =	vst v19;
	v21 =	vor.u32 $0x7, v31;
	v19 =	vor.u32 $0x7, v30;
	v7 =	vld.idx.msk [tilespmem:v7+s2+$0x0], $0xffff;
	v62 =	vmul.f32 $1.442695020e+00, v5  }
0x119: {  	v16 =	vor.u32 $0x8, v32;
	v40 =	vor.u32 $0x6, v2;
	v61 =	vld.idx.msk [tilespmem:v32+s2+$0x0], $0xffff;
	v63 =	vmul.f32 $1.442695020e+00, v4  }
0x11a: {  	v0 =	vshll.u32 v0, $0x3;
	v42 =	vld.idx.msk [tilespmem:v3+s2+$0x0], $0xffff;
	v1 =	vmul.f32 $1.442695020e+00, v1;
	(erf) = vpow2.f32 v62  }
0x11b: {  	v48 =	vor.u32 $0x7, v2;
	[tilespmem:$0x1FF80] =	vst v13;
	v13 =	vld [tilespmem:$0x1FF60];
	v10 =	vmul.f32 $1.442695020e+00, v10;
	(erf) = vpow2.f32 v63  }
0x11c: {  	v9 =	vor.u32 $0x2, v32;
	v37 =	vld.idx.msk [tilespmem:v60+s2+$0x0], $0xffff;
	v11 =	vmul.f32 $1.442695020e+00, v11;
	(erf) = vpow2.f32 v1  }
0x11d: {  	v49 =	vor.u32 $0x8, v2;
	v15 =	vld.idx.msk [tilespmem:v15+s2+$0x0], $0xffff;
	v50 =	vmul.f32 $1.442695020e+00, v7;
	(erf) = vpow2.f32 v10  }
0x11e: {  	v51 =	vor.u32 $0x9, v2;
	v40 =	vld.idx.msk [tilespmem:v40+s2+$0x0], $0xffff;
	v10 =	vmul.f32 $1.442695020e+00, v61;
	(erf) = vpow2.f32 v11  }
0x11f: {  	v55 =	vor.u32 $0xA, v2;
	v17 =	vld.idx.msk [tilespmem:v17+s2+$0x0], $0xffff;
	v11 =	vmul.f32 $1.442695020e+00, v42;
	(erf) = vpow2.f32 v50  }
0x120: {  	v57 =	vor.u32 $0xB, v2;
	v53 =	vld.idx.msk [tilespmem:v48+s2+$0x0], $0xffff;
	[tilespmem:$0x1FF60] =	vst v13;
	v13 =	vmul.f32 $1.442695020e+00, v43;
	(erf) = vpow2.f32 v10  }
0x121: {  	v59 =	vor.u32 $0xC, v2;
	v54 =	vld.idx.msk [tilespmem:v9+s2+$0x0], $0xffff;
	v14 =	vmul.f32 $1.442695020e+00, v37;
	(erf) = vpow2.f32 v11  }
0x122: {  	v12 =	vor.u32 $0x8, v31;
	v47 =	vld.idx.msk [tilespmem:v34+s2+$0x0], $0xffff;
	v15 =	vmul.f32 $1.442695020e+00, v15;
	(erf) = vpow2.f32 v13  }
0x123: {  	v36 =	vld.idx.msk [tilespmem:v36+s2+$0x0], $0xffff;
	v8 =	vor.u32 $0x8, v30;
	v40 =	vmul.f32 $1.442695020e+00, v40;
	v58 =	vpop (erf);
	(erf) = vpow2.f32 v14  }
0x124: {  	v3 =	vor.u32 $0x9, v30;
	v56 =	vld.idx.msk [tilespmem:v49+s2+$0x0], $0xffff;
	v45 =	vmul.f32 $1.442695020e+00, v52;
	v10 =	vpop (erf);
	(erf) = vpow2.f32 v15  }
0x125: {  	v38 =	vld.idx.msk [tilespmem:v51+s2+$0x0], $0xffff;
	v48 =	vor.u32 $0x10, v2;
	v60 =	vmul.f32 $1.442695020e+00, v53;
	v13 =	vpop (erf);
	(erf) = vpow2.f32 v40  }
0x126: {  	v52 =	vor.u32 $0xD, v2;
	v62 =	vmul.f32 $1.442695020e+00, v54;
	v61 =	vld.idx.msk [tilespmem:v55+s2+$0x0], $0xffff;
	v15 =	vpop (erf);
	(erf) = vpow2.f32 v45  }
0x127: {  	v9 =	vor.u32 $0xB, v32;
	v6 =	vor.u32 $0x9, v32;
	v63 =	vld.idx.msk [tilespmem:v35+s2+$0x0], $0xffff;
	[tilespmem:$0x1F960] =	vst v13;
	v50 =	vpop (erf);
	(erf) = vpow2.f32 v60  }
0x128: {  	v39 =	vld.idx.msk [tilespmem:v57+s2+$0x0], $0xffff;
	v53 =	vmul.f32 $1.442695020e+00, v17;
	v54 =	vor.u32 $0xE, v2;
	[tilespmem:$0x1F9C0] =	vst v50;
	(erf) = vpow2.f32 v62;
	v17 =	vpop (erf)  }
0x129: {  	v5 =	vor.u32 $0x9, v31;
	v37 =	vmul.f32 $1.442695020e+00, v56;
	v56 =	vor.u32 $0xF, v2;
	v55 =	vld.idx.msk [tilespmem:v59+s2+$0x0], $0xffff;
	v34 =	vpop (erf)  }
0x12a: {  	v57 =	vmul.f32 $1.442695020e+00, v47;
	v36 =	vmul.f32 $1.442695020e+00, v36;
	v43 =	vadd.f32 v10, v58;
	v58 =	vld.idx.msk [tilespmem:v18+s2+$0x0], $0xffff  }
0x12b: {  	v38 =	vmul.f32 $1.442695020e+00, v38;
	v1 =	vor.u32 $0xA, v31;
	v42 =	vmul.f32 $1.442695020e+00, v61;
	v61 =	vld.idx.msk [tilespmem:v52+s2+$0x0], $0xffff  }
0x12c: {  	v43 =	vadd.f32 v15, v43;
	v60 =	vor.u32 $0x12, v2;
	v62 =	vmul.f32 $1.442695020e+00, v63;
	v63 =	vld.idx.msk [tilespmem:v20+s2+$0x0], $0xffff  }
0x12d: {  	v7 =	vor.u32 $0xA, v30;
	v11 =	vor.u32 $0xB, v31;
	(erf) = vpow2.f32 v37;
	v45 =	vld.idx.msk [tilespmem:v54+s2+$0x0], $0xffff  }
0x12e: {  	v14 =	vmul.f32 $1.442695020e+00, v39;
	v43 =	vadd.f32 v17, v43;
	v18 =	vpop (erf);
	v37 =	vld.idx.msk [tilespmem:v56+s2+$0x0], $0xffff;
	(erf) = vpow2.f32 v53  }
0x12f: {  	v52 =	vor.u32 $0x11, v2;
	v44 =	vld.idx.msk [tilespmem:v48+s2+$0x0], $0xffff;
	v48 =	vor.u32 $0x16, v2;
	v35 =	vpop (erf);
	(erf) = vpow2.f32 v38  }
0x130: {  	v34 =	vadd.f32 v13, v34;
	v16 =	vld.idx.msk [tilespmem:v16+s2+$0x0], $0xffff;
	v43 =	vadd.f32 v18, v43;
	v20 =	vpop (erf);
	(erf) = vpow2.f32 v57  }
0x131: {  	v53 =	vmul.f32 $1.442695020e+00, v55;
	v38 =	vld.idx.msk [tilespmem:v60+s2+$0x0], $0xffff;
	v60 =	vor.u32 $0x15, v2;
	(erf) = vpow2.f32 v42  }
0x132: {  	v49 =	vld.idx.msk [tilespmem:v24+s2+$0x0], $0xffff;
	v43 =	vadd.f32 v20, v43;
	v51 =	vpop (erf);
	(erf) = vpow2.f32 v62;
	v47 =	vmul.f32 $1.442695020e+00, v58  }
0x133: {  	v35 =	vadd.f32 v50, v35;
	v42 =	vld.idx.msk [tilespmem:v23+s2+$0x0], $0xffff;
	v23 =	vpop (erf);
	v61 =	vmul.f32 $1.442695020e+00, v61;
	v62 =	vmul.f32 $1.442695020e+00, v63  }
0x134: {  	v59 =	vadd.f32 v23, v43;
	v39 =	vpop (erf);
	v63 =	vld.idx.msk [tilespmem:v33+s2+$0x0], $0xffff;
	v45 =	vmul.f32 $1.442695020e+00, v45;
	(erf) = vpow2.f32 v14  }
0x135: {  	v58 =	vor.u32 $0x13, v2;
	v46 =	vld.idx.msk [tilespmem:v52+s2+$0x0], $0xffff;
	v37 =	vmul.f32 $1.442695020e+00, v37;
	v24 =	vpop (erf);
	(erf) = vpow2.f32 v36  }
0x136: {  	v16 =	vmul.f32 $1.442695020e+00, v16;
	v39 =	vadd.f32 v51, v39;
	v56 =	vpop (erf);
	(erf) = vpow2.f32 v53  }
0x137: {  	v40 =	vadd.f32 v24, v59;
	v34 =	vadd.f32 v56, v34;
	v33 =	vpop (erf);
	(erf) = vpow2.f32 v47  }
0x138: {  	v59 =	vmul.f32 $1.442695020e+00, v42;
	v47 =	vor.u32 $0x14, v2;
	v55 =	vpop (erf);
	(erf) = vpow2.f32 v61  }
0x139: {  	v42 =	vld.idx.msk [tilespmem:v29+s2+$0x0], $0xffff;
	v40 =	vadd.f32 v33, v40;
	v61 =	vmul.f32 $1.442695020e+00, v49;
	v63 =	vmul.f32 $1.442695020e+00, v63  }
0x13a: {  	v53 =	vmul.f32 $1.442695020e+00, v46;
	v10 =	vadd.f32 v33, v10;
	(erf) = vpow2.f32 v62;
	v29 =	vpop (erf)  }
0x13b: {  	v41 =	vld.idx.msk [tilespmem:v25+s2+$0x0], $0xffff;
	v15 =	vadd.f32 v33, v15;
	v40 =	vadd.f32 v29, v40;
	(erf) = vpow2.f32 v45;
	v52 =	vpop (erf)  }
0x13c: {  	v49 =	vld.idx.msk [tilespmem:v28+s2+$0x0], $0xffff;
	v62 =	vmul.f32 $1.442695020e+00, v44;
	v35 =	vadd.f32 v55, v35;
	(erf) = vpow2.f32 v59;
	v28 =	vpop (erf)  }
0x13d: {  	v44 =	vld.idx.msk [tilespmem:v58+s2+$0x0], $0xffff;
	v17 =	vadd.f32 v29, v17;
	v40 =	vadd.f32 v28, v40;
	v59 =	vpop (erf);
	(erf) = vpow2.f32 v37  }
0x13e: {  	v10 =	vadd.f32 v29, v10;
	v54 =	vmul.f32 $1.442695020e+00, v42;
	v42 =	vld.idx.msk [tilespmem:v26+s2+$0x0], $0xffff;
	v25 =	vpop (erf);
	(erf) = vpow2.f32 v61  }
0x13f: {  	v50 =	vld.idx.msk [tilespmem:v19+s2+$0x0], $0xffff;
	v39 =	vadd.f32 v52, v39;
	v40 =	vadd.f32 v25, v40;
	v58 =	vpop (erf);
	(erf) = vpow2.f32 v62  }
0x140: {  	v46 =	vld.idx.msk [tilespmem:v47+s2+$0x0], $0xffff;
	v47 =	vor.u32 $0x17, v2;
	v37 =	vmul.f32 $1.442695020e+00, v38;
	(erf) = vpow2.f32 v63;
	v26 =	vpop (erf)  }
0x141: {  	v60 =	vld.idx.msk [tilespmem:v60+s2+$0x0], $0xffff;
	v62 =	vmul.f32 $1.442695020e+00, v49;
	v40 =	vadd.f32 v26, v40;
	(erf) = vpow2.f32 v53;
	v57 =	vpop (erf)  }
0x142: {  	v61 =	vor.u32 $0x18, v2;
	v49 =	vld.idx.msk [tilespmem:v27+s2+$0x0], $0xffff;
	v63 =	vmul.f32 $1.442695020e+00, v44;
	(erf) = vpow2.f32 v54;
	v27 =	vpop (erf)  }
0x143: {  	v44 =	vld.idx.msk [tilespmem:v48+s2+$0x0], $0xffff;
	v36 =	vmul.f32 $1.442695020e+00, v42;
	v40 =	vadd.f32 v27, v40;
	v53 =	vpop (erf);
	(erf) = vpow2.f32 v37  }
0x144: {  	v54 =	vor.u32 $0x19, v2;
	v37 =	vmul.f32 $1.442695020e+00, v41;
	v41 =	vld.idx.msk [tilespmem:v22+s2+$0x0], $0xffff;
	v22 =	vpop (erf);
	(erf) = vpow2.f32 v62  }
0x145: {  	v42 =	vld.idx.msk [tilespmem:v21+s2+$0x0], $0xffff;
	v62 =	vmul.f32 $1.442695020e+00, v46;
	v40 =	vadd.f32 v22, v40;
	v14 =	vpop (erf);
	(erf) = vpow2.f32 v63  }
0x146: {  	v38 =	vmul.f32 $1.442695020e+00, v60;
	v18 =	vadd.f32 v28, v18;
	v46 =	vld.idx.msk [tilespmem:v47+s2+$0x0], $0xffff;
	v47 =	vor.u32 $0x1A, v2;
	v21 =	vpop (erf)  }
0x147: {  	v10 =	vadd.f32 v28, v10;
	v43 =	vld.idx.msk [tilespmem:v61+s2+$0x0], $0xffff;
	(erf) = vpow2.f32 v62;
	v40 =	vadd.f32 v21, v40;
	v61 =	vpop (erf)  }
0x148: {  	v45 =	vld.idx.msk [tilespmem:v3+s2+$0x0], $0xffff;
	v3 =	vadd.f32 v59, v34;
	v20 =	vadd.f32 v25, v20;
	v63 =	vor.u32 $0x1B, v2;
	v19 =	vpop (erf)  }
0x149: {  	v44 =	vmul.f32 $1.442695020e+00, v44;
	v48 =	vld.idx.msk [tilespmem:v54+s2+$0x0], $0xffff;
	v40 =	vadd.f32 v19, v40;
	v54 =	vpop (erf);
	(erf) = vpow2.f32 v38  }
0x14a: {  	v49 =	vmul.f32 $1.442695020e+00, v49;
	v38 =	vor.u32 $0x1C, v2;
	(erf) = vpow2.f32 v37;
	v2 =	vpop (erf)  }
0x14b: {  	v60 =	vmul.f32 $1.442695020e+00, v46;
	v46 =	vld.idx.msk [tilespmem:v47+s2+$0x0], $0xffff;
	v40 =	vadd.f32 v2, v40;
	v13 =	vpop (erf);
	(erf) = vpow2.f32 v44  }
0x14c: {  	v10 =	vadd.f32 v25, v10;
	v41 =	vmul.f32 $1.442695020e+00, v41;
	v44 =	vld.idx.msk [tilespmem:v12+s2+$0x0], $0xffff;
	(erf) = vpow2.f32 v36;
	v12 =	vpop (erf)  }
0x14d: {  	[tilespmem:$0x1FA70] =	vst v51;
	v62 =	vmul.f32 $1.442695020e+00, v43;
	v40 =	vadd.f32 v12, v40;
	(erf) = vpow2.f32 v60;
	v51 =	vpop (erf)  }
0x14e: {  	[tilespmem:$0x1F970] =	vst v56;
	v23 =	vadd.f32 v26, v23;
	v56 =	vmul.f32 $1.442695020e+00, v42;
	v63 =	vld.idx.msk [tilespmem:v63+s2+$0x0], $0xffff;
	v42 =	vpop (erf);
	(erf) = vpow2.f32 v49  }
0x14f: {  	v60 =	vmul.f32 $1.442695020e+00, v48;
	v40 =	vadd.f32 v42, v40;
	(erf) = vpow2.f32 v62  }
0x150: {  	v10 =	vadd.f32 v26, v10;
	v24 =	vadd.f32 v27, v24;
	v38 =	vld.idx.msk [tilespmem:v38+s2+$0x0], $0xffff;
	(erf) = vpow2.f32 v41;
	v41 =	vpop (erf)  }
0x151: {  	v47 =	vld.idx.msk [tilespmem:v5+s2+$0x0], $0xffff;
	v5 =	vmul.f32 $1.442695020e+00, v46;
	v40 =	vadd.f32 v41, v40;
	(erf) = vpow2.f32 v60  }
0x152: {  	v6 =	vld.idx.msk [tilespmem:v6+s2+$0x0], $0xffff;
	v10 =	vadd.f32 v27, v10;
	v62 =	vmul.f32 $1.442695020e+00, v50;
	(erf) = vpow2.f32 v56;
	v48 =	vpop (erf)  }
0x153: {  	v63 =	vmul.f32 $1.442695020e+00, v63;
	v40 =	vadd.f32 v48, v40;
	v50 =	vpop (erf);
	(erf) = vpow2.f32 v5  }
0x154: {  	v3 =	vadd.f32 v53, v3;
	v15 =	vadd.f32 v22, v15;
	v49 =	vpop (erf);
	(erf) = vpow2.f32 v62  }
0x155: {  	v8 =	vld.idx.msk [tilespmem:v8+s2+$0x0], $0xffff;
	[tilespmem:$0x1F9E0] =	vst v55;
	v60 =	vmul.f32 $1.442695020e+00, v38;
	v62 =	vadd.f32 v49, v40;
	v55 =	vpop (erf);
	(erf) = vpow2.f32 v63  }
0x156: {  	v4 =	vor.u32 $0xA, v32;
	v17 =	vadd.f32 v22, v17;
	v40 =	vld.idx.msk [tilespmem:v7+s2+$0x0], $0xffff;
	v7 =	vadd.f32 v58, v35;
	v35 =	vpop (erf)  }
0x157: {  	[tilespmem:$0x1FA90] =	vst v52;
	v37 =	vmul.f32 $1.442695020e+00, v6;
	v6 =	vld.idx.msk [tilespmem:v11+s2+$0x0], $0xffff;
	(erf) = vpow2.f32 v60;
	v11 =	vadd.f32 v35, v62;
	v52 =	vpop (erf)  }
0x158: {  	v46 =	vor.u32 $0xB, v30;
	v34 =	vmul.f32 $1.442695020e+00, v44;
	(erf) = vpow2.f32 v16;
	v16 =	vpop (erf)  }
0x159: {  	v25 =	vor.u32 $0x1, v0;
	[tilespmem:$0x1F9F0] =	vst v58;
	v18 =	vadd.f32 v21, v18;
	v43 =	vld.idx.msk [tilespmem:v1+s2+$0x0], $0xffff;
	v11 =	vadd.f32 v16, v11;
	v58 =	vpop (erf)  }
0x15a: {  	v15 =	vadd.f32 v21, v15;
	v1 =	vld.idx.msk [tilespmem:v9+s2+$0x0], $0xffff;
	v9 =	vmul.f32 $1.442695020e+00, v8;
	(erf) = vpow2.f32 v34;
	v33 =	vpop (erf)  }
0x15b: {  	v20 =	vadd.f32 v19, v20;
	v60 =	vmul.f32 $1.442695020e+00, v45;
	v11 =	vadd.f32 v33, v11;
	v45 =	vpop (erf)  }
0x15c: {  	v4 =	vld.idx.msk [tilespmem:v4+s2+$0x0], $0xffff;
	v15 =	vadd.f32 v19, v15;
	v19 =	vor.u32 $0xD, v30;
	v38 =	vmul.f32 $1.442695020e+00, v47;
	v47 =	vpop (erf)  }
0x15d: {  	v3 =	vadd.f32 v54, v3;
	v8 =	vld.idx.msk [tilespmem:v46+s2+$0x0], $0xffff;
	v63 =	vor.u32 $0xC, v32;
	v11 =	vadd.f32 v47, v11;
	v46 =	vpop (erf)  }
0x15e: {  	v23 =	vadd.f32 v2, v23;
	v2 =	vadd.f32 v2, v15;
	v62 =	vor.u32 $0xC, v31;
	v29 =	vpop (erf)  }
0x15f: {  	v17 =	vadd.f32 v42, v17;
	(erf) = vpow2.f32 v9;
	v11 =	vadd.f32 v29, v11  }
0x160: {  	v24 =	vadd.f32 v12, v24;
	v2 =	vadd.f32 v12, v2;
	(erf) = vpow2.f32 v37;
	v22 =	vpop (erf)  }
0x161: {  	v19 =	vld.idx.msk [tilespmem:v19+s2+$0x0], $0xffff;
	v17 =	vadd.f32 v41, v17;
	(erf) = vpow2.f32 v38;
	v11 =	vadd.f32 v22, v11  }
0x162: {  	v56 =	vmul.f32 $1.442695020e+00, v4;
	v5 =	vadd.f32 v57, v39;
	v9 =	vld.idx.msk [tilespmem:v63+s2+$0x0], $0xffff;
	(erf) = vpow2.f32 v60;
	v4 =	vpop (erf)  }
0x163: {  	[tilespmem:$0x1FAB0] =	vst v57;
	v15 =	vadd.f32 v48, v17;
	v63 =	vor.u32 $0xC, v30;
	v57 =	vld.idx.msk [tilespmem:v62+s2+$0x0], $0xffff;
	v62 =	vpop (erf);
	(erf) = vrcp.f32 v11  }
0x164: {  	v21 =	vor.u32 $0xD, v32;
	v23 =	vadd.f32 v48, v23;
	v24 =	vadd.f32 v49, v24  }
0x165: {  	[tilespmem:$0x1F980] =	vst v59;
	v59 =	vmul.f32 $1.442695020e+00, v43;
	v15 =	vadd.f32 v49, v15;
	v7 =	vadd.f32 v14, v7  }
0x166: {  	v1 =	vmul.f32 $1.442695020e+00, v1;
	v23 =	vadd.f32 v16, v23;
	v11 =	vadd.f32 v42, v18  }
0x167: {  	v17 =	vor.u32 $0x2, v0;
	v24 =	vadd.f32 v33, v24;
	v18 =	vadd.f32 v41, v20  }
0x168: {  	v19 =	vmul.f32 $1.442695020e+00, v19;
	v23 =	vadd.f32 v47, v23;
	v28 =	vld.idx.msk [tilespmem:v63+s2+$0x0], $0xffff;
	v63 =	vpop (erf);
	v11 =	vadd.f32 v35, v11  }
0x169: {  	v38 =	vor.u32 $0x1A, v30;
	v24 =	vadd.f32 v29, v24;
	v18 =	vadd.f32 v35, v18;
	v44 =	vpop (erf)  }
0x16a: {  	v20 =	vmul.f32 $1.442695020e+00, v40;
	v40 =	vor.u32 $0xD, v31;
	v35 =	vpop (erf);
	v11 =	vadd.f32 v16, v11  }
0x16b: {  	v9 =	vmul.f32 $1.442695020e+00, v9;
	v16 =	vor.u32 $0x3, v0;
	v12 =	vadd.f32 v47, v18;
	v42 =	vpop (erf)  }
0x16c: {  	v18 =	vor.u32 $0x4, v0;
	v11 =	vadd.f32 v33, v11;
	v33 =	vor.u32 $0x19, v32;
	v27 =	vpop (erf)  }
0x16d: {  	v12 =	vadd.f32 v29, v12;
	(erf) = vpow2.f32 v56;
	v10 =	vmul.f32 v27, v10  }
0x16e: {  	v21 =	vld.idx.msk [tilespmem:v21+s2+$0x0], $0xffff;
	v56 =	vor.u32 $0x17, v30;
	v2 =	vmul.f32 v27, v2;
	(erf) = vpow2.f32 v59  }
0x16f: {  	v26 =	vld.idx.msk [tilespmem:v40+s2+$0x0], $0xffff;
	v59 =	vor.u32 $0x18, v32;
	[tilespmem:v0+s7+$0x0] =	vst.idx.msk $0xffff, v10;
	v10 =	vmul.f32 v27, v15;
	v15 =	vor.u32 $0x5, v0  }
0x170: {  	(erf) = vpow2.f32 v20;
	[tilespmem:v25+s7+$0x0] =	vst.idx.msk $0xffff, v2;
	v2 =	vmul.f32 v27, v11;
	v11 =	vadd.f32 v22, v23  }
0x171: {  	v20 =	vor.u32 $0x11, v32;
	v47 =	vld.idx.msk [tilespmem:v33+s2+$0x0], $0xffff;
	v0 =	vor.u32 $0x6, v0;
	[tilespmem:v17+s7+$0x0] =	vst.idx.msk $0xffff, v10;
	v10 =	vmul.f32 v27, v12  }
0x172: {  	(erf) = vpow2.f32 v1;
	v12 =	vadd.f32 v22, v24;
	[tilespmem:v16+s7+$0x0] =	vst.idx.msk $0xffff, v2;
	v2 =	vmul.f32 v27, v11  }
0x173: {  	v1 =	vor.u32 $0xF, v32;
	v25 =	vor.u32 $0x15, v30;
	v17 =	vmul.f32 $1.442695020e+00, v21;
	[tilespmem:v18+s7+$0x0] =	vst.idx.msk $0xffff, v10  }
0x174: {  	v10 =	vmul.f32 v27, v12;
	v12 =	vmul.f32 $1.442695020e+00, v57;
	[tilespmem:v15+s7+$0x0] =	vst.idx.msk $0xffff, v2;
	v2 =	vadd.f32 v61, v5  }
0x175: {  	v5 =	vmul.f32 $1.442695020e+00, v6;
	v6 =	vadd.f32 v13, v7;
	v7 =	vor.u32 $0xE, v32  }
0x176: {  	v11 =	vor.u32 $0xE, v30;
	v18 =	vmul.f32 $1.442695020e+00, v26;
	[tilespmem:v0+s7+$0x0] =	vst.idx.msk $0xffff, v10;
	v0 =	vmul.f32 $1.442695020e+00, v8  }
0x177: {  	v47 =	vmul.f32 $1.442695020e+00, v47;
	v8 =	vor.u32 $0xE, v31;
	(erf) = vpow2.f32 v5  }
0x178: {  	v16 =	vor.u32 $0xF, v30;
	v15 =	vmul.f32 $1.442695020e+00, v28;
	v1 =	vld.idx.msk [tilespmem:v1+s2+$0x0], $0xffff;
	v28 =	vpop (erf);
	(erf) = vpow2.f32 v0  }
0x179: {  	[tilespmem:$0x1FAD0] =	vst v61;
	v61 =	vor.u32 $0x18, v30;
	v10 =	vadd.f32 v50, v3;
	v2 =	vadd.f32 v51, v2  }
0x17a: {  	v6 =	vadd.f32 v55, v6;
	v5 =	vor.u32 $0xF, v31;
	v3 =	vpop (erf);
	(erf) = vpow2.f32 v9;
	v7 =	vld.idx.msk [tilespmem:v7+s2+$0x0], $0xffff  }
0x17b: {  	v10 =	vadd.f32 v58, v10;
	v2 =	vadd.f32 v52, v2;
	v0 =	vpop (erf);
	(erf) = vpow2.f32 v12  }
0x17c: {  	v6 =	vadd.f32 v45, v6;
	v9 =	vor.u32 $0x10, v32;
	v12 =	vor.u32 $0x10, v31;
	v8 =	vld.idx.msk [tilespmem:v8+s2+$0x0], $0xffff  }
0x17d: {  	v11 =	vld.idx.msk [tilespmem:v11+s2+$0x0], $0xffff;
	v10 =	vadd.f32 v4, v10;
	v1 =	vmul.f32 $1.442695020e+00, v1;
	(erf) = vpow2.f32 v15  }
0x17e: {  	v16 =	vld.idx.msk [tilespmem:v16+s2+$0x0], $0xffff;
	v2 =	vadd.f32 v46, v2;
	v15 =	vor.u32 $0x10, v30;
	(erf) = vpow2.f32 v17  }
0x17f: {  	v6 =	vadd.f32 v62, v6;
	v27 =	vpop (erf);
	(erf) = vpow2.f32 v18;
	v7 =	vmul.f32 $1.442695020e+00, v7  }
0x180: {  	v5 =	vld.idx.msk [tilespmem:v5+s2+$0x0], $0xffff;
	v17 =	vor.u32 $0x11, v31;
	v10 =	vadd.f32 v44, v10;
	v22 =	vpop (erf);
	(erf) = vpow2.f32 v19  }
0x181: {  	v21 =	vadd.f32 v63, v2;
	v9 =	vld.idx.msk [tilespmem:v9+s2+$0x0], $0xffff;
	v8 =	vmul.f32 $1.442695020e+00, v8;
	v24 =	vpop (erf);
	(erf) = vpow2.f32 v7  }
0x182: {  	v18 =	vor.u32 $0x11, v30;
	v6 =	vadd.f32 v35, v6;
	v11 =	vmul.f32 $1.442695020e+00, v11;
	v12 =	vld.idx.msk [tilespmem:v12+s2+$0x0], $0xffff  }
0x183: {  	v16 =	vmul.f32 $1.442695020e+00, v16;
	v10 =	vadd.f32 v28, v10;
	v15 =	vld.idx.msk [tilespmem:v15+s2+$0x0], $0xffff;
	v26 =	vpop (erf);
	(erf) = vpow2.f32 v8  }
0x184: {  	v6 =	vadd.f32 v3, v6;
	v7 =	vld.idx.msk [tilespmem:v20+s2+$0x0], $0xffff;
	v20 =	vor.u32 $0x12, v32;
	v41 =	vpop (erf);
	(erf) = vpow2.f32 v11  }
0x185: {  	v43 =	vmovc v3;
	v19 =	vadd.f32 v42, v21;
	v5 =	vmul.f32 $1.442695020e+00, v5;
	v8 =	vld.idx.msk [tilespmem:v17+s2+$0x0], $0xffff;
	v17 =	vor.u32 $0x12, v31  }
0x186: {  	[tilespmem:$0x1FA50] =	vst v45;
	v10 =	vadd.f32 v27, v10;
	v6 =	vadd.f32 v22, v6;
	v45 =	vpop (erf);
	(erf) = vpow2.f32 v1  }
0x187: {  	v11 =	vld.idx.msk [tilespmem:v18+s2+$0x0], $0xffff;
	v18 =	vor.u32 $0x12, v30;
	v9 =	vmul.f32 $1.442695020e+00, v9;
	v3 =	vpop (erf);
	(erf) = vpow2.f32 v5  }
0x188: {  	v1 =	vor.u32 $0x13, v32;
	v12 =	vmul.f32 $1.442695020e+00, v12;
	v37 =	vpop (erf);
	(erf) = vpow2.f32 v16  }
0x189: {  	[tilespmem:$0x1FAE0] =	vst v0;
	v19 =	vadd.f32 v0, v19;
	v5 =	vld.idx.msk [tilespmem:v20+s2+$0x0], $0xffff;
	v20 =	vor.u32 $0x13, v31;
	v0 =	vpop (erf);
	(erf) = vpow2.f32 v9  }
0x18a: {  	[tilespmem:$0x1FA10] =	vst v22;
	v22 =	vor.u32 $0x13, v30;
	v15 =	vmul.f32 $1.442695020e+00, v15;
	v21 =	vld.idx.msk [tilespmem:v17+s2+$0x0], $0xffff;
	v17 =	vpop (erf);
	(erf) = vpow2.f32 v12  }
0x18b: {  	v34 =	vmovc v14;
	v10 =	vadd.f32 v26, v10;
	v19 =	vadd.f32 v24, v19;
	v7 =	vmul.f32 $1.442695020e+00, v7  }
0x18c: {  	v6 =	vadd.f32 v41, v6;
	v23 =	vld.idx.msk [tilespmem:v18+s2+$0x0], $0xffff;
	v9 =	vor.u32 $0x14, v32;
	v16 =	vpop (erf);
	(erf) = vpow2.f32 v15  }
0x18d: {  	v8 =	vmul.f32 $1.442695020e+00, v8;
	v1 =	vld.idx.msk [tilespmem:v1+s2+$0x0], $0xffff;
	v12 =	vor.u32 $0x14, v31;
	v14 =	vpop (erf);
	(erf) = vpow2.f32 v7  }
0x18e: {  	v19 =	vadd.f32 v45, v19;
	v11 =	vmul.f32 $1.442695020e+00, v11;
	v15 =	vld.idx.msk [tilespmem:v20+s2+$0x0], $0xffff;
	v20 =	vor.u32 $0x14, v30  }
0x18f: {  	[tilespmem:$0x1FB40] =	vst v46;
	v22 =	vld.idx.msk [tilespmem:v22+s2+$0x0], $0xffff;
	v10 =	vadd.f32 v3, v10;
	v5 =	vmul.f32 $1.442695020e+00, v5;
	v46 =	vpop (erf);
	(erf) = vpow2.f32 v8  }
0x190: {  	v7 =	vor.u32 $0x15, v32;
	v21 =	vmul.f32 $1.442695020e+00, v21;
	v48 =	vpop (erf);
	(erf) = vpow2.f32 v11  }
0x191: {  	v23 =	vmul.f32 $1.442695020e+00, v23;
	v8 =	vld.idx.msk [tilespmem:v9+s2+$0x0], $0xffff;
	v9 =	vor.u32 $0x15, v31;
	v2 =	vpop (erf);
	(erf) = vpow2.f32 v5  }
0x192: {  	[tilespmem:$0x1FAF0] =	vst v24;
	v6 =	vadd.f32 v37, v6;
	v19 =	vadd.f32 v0, v19;
	v24 =	vld.idx.msk [tilespmem:v12+s2+$0x0], $0xffff;
	v11 =	vpop (erf);
	(erf) = vpow2.f32 v21  }
0x193: {  	[tilespmem:$0x1FE40] =	vst v0;
	v1 =	vmul.f32 $1.442695020e+00, v1;
	v5 =	vor.u32 $0x16, v32;
	v20 =	vld.idx.msk [tilespmem:v20+s2+$0x0], $0xffff;
	v0 =	vpop (erf);
	(erf) = vpow2.f32 v23  }
0x194: {  	[tilespmem:$0x1FB10] =	vst v52;
	v40 =	vld.idx.msk [tilespmem:v59+s2+$0x0], $0xffff;
	v52 =	vor.u32 $0x16, v30;
	v22 =	vmul.f32 $1.442695020e+00, v22;
	v49 =	vmul.f32 $1.442695020e+00, v15  }
0x195: {  	v6 =	vadd.f32 v16, v6;
	v7 =	vld.idx.msk [tilespmem:v7+s2+$0x0], $0xffff;
	v23 =	vadd.f32 v17, v10;
	v10 =	vpop (erf);
	(erf) = vpow2.f32 v1  }
0x196: {  	[tilespmem:$0x1FB00] =	vst v51;
	v19 =	vadd.f32 v14, v19;
	v21 =	vor.u32 $0x16, v31;
	v51 =	vld.idx.msk [tilespmem:v9+s2+$0x0], $0xffff;
	v9 =	vpop (erf);
	(erf) = vpow2.f32 v49  }
0x197: {  	v29 =	vmovc v53;
	v25 =	vld.idx.msk [tilespmem:v25+s2+$0x0], $0xffff;
	v53 =	vmul.f32 $1.442695020e+00, v8;
	v1 =	vor.u32 $0x17, v32;
	v24 =	vmul.f32 $1.442695020e+00, v24  }
0x198: {  	[tilespmem:$0x1FA40] =	vst v55;
	v55 =	vld.idx.msk [tilespmem:v5+s2+$0x0], $0xffff;
	v5 =	vor.u32 $0x17, v31;
	v20 =	vmul.f32 $1.442695020e+00, v20;
	v8 =	vpop (erf);
	(erf) = vpow2.f32 v22  }
0x199: {  	v22 =	vadd.f32 v46, v23;
	v23 =	vadd.f32 v48, v6;
	v6 =	vpop (erf);
	(erf) = vpow2.f32 v53  }
0x19a: {  	v39 =	vld.idx.msk [tilespmem:v52+s2+$0x0], $0xffff;
	[tilespmem:$0x1FE00] =	vst v3;
	v18 =	vmov v3;
	v57 =	vmul.f32 $1.442695020e+00, v7;
	v3 =	vpop (erf);
	(erf) = vpow2.f32 v24  }
0x19b: {  	v40 =	vmul.f32 $1.442695020e+00, v40;
	[tilespmem:$0x1FC20] =	vst v2;
	v19 =	vadd.f32 v2, v19;
	v21 =	vld.idx.msk [tilespmem:v21+s2+$0x0], $0xffff;
	v2 =	vpop (erf);
	(erf) = vpow2.f32 v20  }
0x19c: {  	[tilespmem:$0x1FBB0] =	vst v0;
	v49 =	vld.idx.msk [tilespmem:v61+s2+$0x0], $0xffff;
	v60 =	vmul.f32 $1.442695020e+00, v51;
	v23 =	vadd.f32 v0, v23;
	v0 =	vpop (erf);
	(erf) = vpow2.f32 v57  }
0x19d: {  	[tilespmem:$0x1FA80] =	vst v63;
	v25 =	vmul.f32 $1.442695020e+00, v25;
	v19 =	vadd.f32 v10, v19;
	v24 =	vld.idx.msk [tilespmem:v1+s2+$0x0], $0xffff;
	v1 =	vor.u32 $0x18, v31  }
0x19e: {  	[tilespmem:$0x1FC40] =	vst v10;
	v61 =	vor.u32 $0x1A, v32;
	v20 =	vadd.f32 v11, v22;
	v22 =	vld.idx.msk [tilespmem:v5+s2+$0x0], $0xffff;
	v10 =	vpop (erf);
	(erf) = vpow2.f32 v60  }
0x19f: {  	[tilespmem:$0x1FAC0] =	vst v42;
	v53 =	vor.u32 $0x19, v30;
	v63 =	vmul.f32 $1.442695020e+00, v55;
	v5 =	vpop (erf);
	(erf) = vpow2.f32 v25  }
0x1a0: {  	v33 =	vor.u32 $0x1A, v31;
	v42 =	vld.idx.msk [tilespmem:v56+s2+$0x0], $0xffff;
	v39 =	vmul.f32 $1.442695020e+00, v39;
	[tilespmem:$0x1FBA0] =	vst v48;
	v21 =	vmul.f32 $1.442695020e+00, v21  }
0x1a1: {  	v48 =	vor.u32 $0x19, v31;
	[tilespmem:$0x1FBD0] =	vst v8;
	v23 =	vadd.f32 v8, v23;
	v8 =	vpop (erf);
	(erf) = vpow2.f32 v63  }
0x1a2: {  	[tilespmem:$0x1FB90] =	vst v16;
	v16 =	vmov v11;
	v52 =	vld.idx.msk [tilespmem:v1+s2+$0x0], $0xffff;
	v60 =	vmul.f32 $1.442695020e+00, v24;
	v1 =	vpop (erf);
	(erf) = vpow2.f32 v21  }
0x1a3: {  	v55 =	vor.u32 $0x1B, v32;
	v51 =	vld.idx.msk [tilespmem:v61+s2+$0x0], $0xffff;
	v63 =	vmul.f32 $1.442695020e+00, v22;
	v11 =	vpop (erf);
	(erf) = vpow2.f32 v39  }
0x1a4: {  	v56 =	vor.u32 $0x1B, v31;
	[tilespmem:$0x1FB60] =	vst v9;
	v53 =	vld.idx.msk [tilespmem:v53+s2+$0x0], $0xffff;
	v20 =	vadd.f32 v9, v20;
	v9 =	vpop (erf);
	(erf) = vpow2.f32 v60  }
0x1a5: {  	v42 =	vmul.f32 $1.442695020e+00, v42;
	v36 =	vadd.f32 v2, v23;
	v57 =	vld.idx.msk [tilespmem:v33+s2+$0x0], $0xffff;
	v7 =	vpop (erf);
	(erf) = vpow2.f32 v63  }
0x1a6: {  	[tilespmem:$0x1FA20] =	vst v13;
	v19 =	vadd.f32 v6, v19;
	v49 =	vmul.f32 $1.442695020e+00, v49;
	v33 =	vor.u32 $0x1C, v32;
	v39 =	vld.idx.msk [tilespmem:v48+s2+$0x0], $0xffff  }
0x1a7: {  	[tilespmem:$0x1FC50] =	vst v6;
	v20 =	vadd.f32 v3, v20;
	v48 =	vadd.f32 v5, v36;
	v6 =	vpop (erf);
	(erf) = vpow2.f32 v42  }
0x1a8: {  	v55 =	vld.idx.msk [tilespmem:v55+s2+$0x0], $0xffff;
	[tilespmem:$0x1FCB0] =	vst v5;
	v52 =	vmul.f32 $1.442695020e+00, v52;
	v60 =	vor.u32 $0x1B, v30;
	v5 =	vpop (erf);
	(erf) = vpow2.f32 v40  }
0x1a9: {  	[tilespmem:$0x1FC60] =	vst v0;
	v19 =	vadd.f32 v0, v19;
	v0 =	vor.u32 $0x1C, v31;
	v51 =	vmul.f32 $1.442695020e+00, v51  }
0x1aa: {  	v59 =	vld.idx.msk [tilespmem:v38+s2+$0x0], $0xffff;
	[tilespmem:$0x1FB70] =	vst v3;
	v13 =	vmul.f32 $1.442695020e+00, v53;
	v42 =	vadd.f32 v10, v20;
	v3 =	vpop (erf);
	(erf) = vpow2.f32 v52  }
0x1ab: {  	[tilespmem:$0x1FBE0] =	vst v2;
	v61 =	vadd.f32 v8, v19;
	v39 =	vmul.f32 $1.442695020e+00, v39;
	v2 =	vpop (erf);
	(erf) = vpow2.f32 v49  }
0x1ac: {  	[tilespmem:$0x1FC80] =	vst v1;
	v48 =	vadd.f32 v11, v48;
	v42 =	vadd.f32 v1, v42;
	v49 =	vld.idx.msk [tilespmem:v56+s2+$0x0], $0xffff;
	v1 =	vpop (erf);
	(erf) = vpow2.f32 v47  }
0x1ad: {  	v55 =	vmul.f32 $1.442695020e+00, v55;
	v56 =	vld.idx.msk [tilespmem:v60+s2+$0x0], $0xffff;
	v60 =	vadd.f32 v9, v61;
	v53 =	vpop (erf);
	(erf) = vpow2.f32 v39  }
0x1ae: {  	v63 =	vld.idx.msk [tilespmem:v33+s2+$0x0], $0xffff;
	v61 =	vmul.f32 $1.442695020e+00, v57;
	v42 =	vadd.f32 v7, v42;
	v52 =	vpop (erf);
	(erf) = vpow2.f32 v13  }
0x1af: {  	v0 =	vld.idx.msk [tilespmem:v0+s2+$0x0], $0xffff;
	v33 =	vmul.f32 $1.442695020e+00, v59;
	v36 =	vadd.f32 v5, v60;
	(erf) = vpow2.f32 v51  }
0x1b0: {  	v32 =	vadd.f32 v6, v48;
	[tilespmem:$0x1FD10] =	vst v5;
	v13 =	vadd.f32 v3, v42;
	v5 =	vpop (erf);
	(erf) = vpow2.f32 v61  }
0x1b1: {  	[tilespmem:$0x1FCA0] =	vst v3;
	v38 =	vmul.f32 $1.442695020e+00, v49;
	v42 =	vadd.f32 v1, v36;
	v3 =	vpop (erf);
	(erf) = vpow2.f32 v33  }
0x1b2: {  	v40 =	vadd.f32 v2, v32;
	v56 =	vmul.f32 $1.442695020e+00, v56;
	(erf) = vpow2.f32 v55  }
0x1b3: {  	[tilespmem:$0x1FCE0] =	vst v2;
	v39 =	vmul.f32 $1.442695020e+00, v63;
	v42 =	vadd.f32 v5, v42;
	v2 =	vpop (erf);
	(erf) = vpow2.f32 v38  }
0x1b4: {  	v0 =	vmul.f32 $1.442695020e+00, v0;
	[tilespmem:$0x1FD20] =	vst v1;
	v40 =	vadd.f32 v52, v40;
	v1 =	vpop (erf);
	(erf) = vpow2.f32 v56  }
0x1b5: {  	[tilespmem:$0x1FD90] =	vst v1;
	v49 =	vadd.f32 v1, v42;
	v1 =	vpop (erf);
	(erf) = vpow2.f32 v39  }
0x1b6: {  	[tilespmem:$0x1FD60] =	vst v2;
	v48 =	vadd.f32 v2, v40;
	v2 =	vpop (erf);
	(erf) = vpow2.f32 v0;
	v0 =	vld [tilespmem:$0x1F970];
	_ =	sdelay $0x4  }
0x1b7: {  	[tilespmem:$0x1FC90] =	vst v7;
	v7 =	vadd.f32 v4, v0;
	v0 =	vld [tilespmem:$0x1F980];
	_ =	sdelay $0x3  }
0x1b8: {  	v12 =	vld [tilespmem:$0x1F950]  }
0x1b9: {  	v13 =	vadd.f32 v53, v13;
	v61 =	vadd.f32 v44, v0;
	v0 =	vld [tilespmem:$0x1FF40];
	_ =	sdelay $0x1  }
0x1ba: {  	v30 =	vor.u32 $0x1C, v30;
	v13 =	vadd.f32 v3, v13;
	_ =	sdelay $0x1  }
0x1bb: {  	[tilespmem:$0x1FD50] =	vst v1;
	v13 =	vadd.f32 v1, v13;
	v1 =	vld [tilespmem:$0x1F960]  }
0x1bc: {  	v63 =	vmul.f32 v12, v0;
	v0 =	vld [tilespmem:$0x1FF50];
	_ =	sdelay $0x1  }
0x1bd: {  	v30 =	vld.idx.msk [tilespmem:v30+s2+$0x0], $0xffff;
	_ =	sdelay $0x2  }
0x1be: {  	[tilespmem:$0x1FD70] =	vst v2;
	v55 =	vadd.f32 v2, v48;
	v60 =	vadd.f32 v4, v1;
	v1 =	vpop (erf);
	v2 =	vmul.f32 v12, v0;
	v0 =	vld [tilespmem:$0x1F990]  }
0x1bf: {  	v59 =	vpop (erf)  }
0x1c0: {  	[tilespmem:$0x1FCF0] =	vst v8;
	v30 =	vmul.f32 $1.442695020e+00, v30;
	v57 =	vpop (erf)  }
0x1c1: {  	v8 =	vld [tilespmem:$0x1F9C0];
	[tilespmem:$0x1FD40] =	vst v3;
	v3 =	vadd.f32 v59, v13;
	v56 =	vpop (erf)  }
0x1c2: {  	v15 =	vld [tilespmem:$0x1F9B0];
	(erf) = vpow2.f32 v30;
	v30 =	vadd.f32 v57, v55;
	v55 =	vpop (erf)  }
0x1c3: {  	[tilespmem:$0x1FDB0] =	vst v1;
	v4 =	vadd.f32 v1, v49;
	v1 =	vmul.f32 v12, v0;
	v0 =	vadd.f32 v55, v3;
	v3 =	vld [tilespmem:$0x1F9A0];
	_ =	sdelay $0x1  }
0x1c4: {  	[tilespmem:$0x1FC00] =	vst v14;
	v4 =	vadd.f32 v56, v4;
	v13 =	vpop (erf)  }
0x1c5: {  	v14 =	vadd.f32 v28, v29;
	[tilespmem:$0x1FD00] =	vst v9;
	v42 =	vmov v28;
	v28 =	vadd.f32 v62, v8;
	v8 =	vld [tilespmem:$0x1F9E0];
	v9 =	vpop (erf)  }
0x1c6: {  	[tilespmem:$0x1FD30] =	vst v27;
	v54 =	vadd.f32 v27, v54;
	v27 =	vadd.f32 v9, v4;
	v4 =	vld [tilespmem:$0x1FFC0]  }
0x1c7: {  	v29 =	vmul.f32 v12, v15;
	v3 =	vmul.f32 v12, v3;
	v12 =	vld [tilespmem:$0x1F9D0];
	_ =	sdelay $0x3  }
0x1c8: {  	[tilespmem:$0x1FDA0] =	vst v26  }
0x1c9: {  	[tilespmem:$0x1FD80] =	vst v5;
	v5 =	vadd.f32 v26, v50;
	v26 =	vmul.f32 v4, v12;
	v12 =	vadd.f32 v62, v8;
	v8 =	vld [tilespmem:$0x1F9F0];
	_ =	sdelay $0x3  }
0x1ca: {  	v40 =	vld [tilespmem:$0x1FA10]  }
0x1cb: {  	v15 =	vadd.f32 v35, v8;
	v8 =	vld [tilespmem:$0x1FA20];
	_ =	sdelay $0x4  }
0x1cc: {  	[tilespmem:$0x1FDF0] =	vst v9;
	v9 =	vadd.f32 v40, v8;
	v8 =	vld [tilespmem:$0x1FA40];
	_ =	sdelay $0x4  }
0x1cd: {  	v31 =	vadd.f32 v41, v8;
	v8 =	vld [tilespmem:$0x1FA50];
	_ =	sdelay $0x2  }
0x1ce: {  	v19 =	vld [tilespmem:$0x1FA60]  }
0x1cf: {  	v20 =	vld [tilespmem:$0x1FA80]  }
0x1d0: {  	v39 =	vmov v44;
	v44 =	vadd.f32 v37, v8;
	v8 =	vld [tilespmem:$0x1FA70];
	_ =	sdelay $0x4  }
0x1d1: {  	v50 =	vmul.f32 v4, v19;
	v19 =	vadd.f32 v20, v8;
	v8 =	vld [tilespmem:$0x1FA90];
	_ =	sdelay $0x3  }
0x1d2: {  	[tilespmem:$0x1FDC0] =	vst v41;
	v41 =	vld [tilespmem:$0x1FAC0]  }
0x1d3: {  	v20 =	vadd.f32 v20, v8;
	v8 =	vld [tilespmem:$0x1FAB0];
	_ =	sdelay $0x3  }
0x1d4: {  	v34 =	vadd.f32 v43, v34;
	[tilespmem:$0x1FC70] =	vst v10;
	v10 =	vmov v43;
	v43 =	vld [tilespmem:$0x1FAE0]  }
0x1d5: {  	v22 =	vadd.f32 v41, v8;
	v8 =	vld [tilespmem:$0x1FAD0];
	_ =	sdelay $0x4  }
0x1d6: {  	v23 =	vadd.f32 v43, v8;
	v8 =	vld [tilespmem:$0x1FFF0];
	_ =	sdelay $0x3  }
0x1d7: {  	[tilespmem:$0x1FCC0] =	vst v11;
	v11 =	vld [tilespmem:$0x1FAF0]  }
0x1d8: {  	v24 =	vmul.f32 v4, v8;
	v8 =	vld [tilespmem:$0x1FB00];
	_ =	sdelay $0x3  }
0x1d9: {  	[tilespmem:$0x1FCD0] =	vst v6;
	v6 =	vadd.f32 v18, v58;
	v18 =	vld [tilespmem:$0x1FA00]  }
0x1da: {  	v25 =	vadd.f32 v11, v8;
	v8 =	vld [tilespmem:$0x1FB10];
	_ =	sdelay $0x2  }
0x1db: {  	v21 =	vld [tilespmem:$0x1FAA0]  }
0x1dc: {  	v33 =	vmul.f32 v4, v18;
	v18 =	vld [tilespmem:$0x1FA30]  }
0x1dd: {  	v36 =	vadd.f32 v45, v8;
	v8 =	vld [tilespmem:$0x1FB20];
	_ =	sdelay $0x3  }
0x1de: {  	v21 =	vmul.f32 v4, v21  }
0x1df: {  	v18 =	vmul.f32 v4, v18;
	v38 =	vmul.f32 v4, v8;
	v4 =	vld [tilespmem:$0x1FB30];
	_ =	sdelay $0x3  }
0x1e0: {  	v8 =	vld [tilespmem:$0x1FB40]  }
0x1e1: {  	[tilespmem:$0x1FE30] =	vst v37;
	v37 =	vshll.u32 v4, $0x3;
	v4 =	vld [tilespmem:$0x1FE40];
	_ =	sdelay $0x3  }
0x1e2: {  	v58 =	vpop (erf)  }
0x1e3: {  	[tilespmem:$0x1FDE0] =	vst v45;
	v0 =	vadd.f32 v58, v0;
	v45 =	vadd.f32 v4, v8;
	v4 =	vld [tilespmem:$0x1FF60]  }
0x1e4: {  	v48 =	vld [tilespmem:$0x1FF70];
	v62 =	vpop (erf)  }
0x1e5: {  	v51 =	vpop (erf);
	(erf) = vrcp.f32 v0;
	v0 =	vld [tilespmem:$0x1FF80]  }
0x1e6: {  	v8 =	vld [tilespmem:$0x1FF90];
	_ =	sdelay $0x4  }
0x1e7: {  	[tilespmem:v4+s7+$0x0] =	vst.idx.msk $0xffff, v63  }
0x1e8: {  	[tilespmem:v48+s7+$0x0] =	vst.idx.msk $0xffff, v2  }
0x1e9: {  	[tilespmem:v0+s7+$0x0] =	vst.idx.msk $0xffff, v1  }
0x1ea: {  	[tilespmem:v8+s7+$0x0] =	vst.idx.msk $0xffff, v3;
	v3 =	vld [tilespmem:$0x1FFA0];
	_ =	sdelay $0x7  }
0x1eb: {  	[tilespmem:v3+s7+$0x0] =	vst.idx.msk $0xffff, v29;
	v3 =	vld [tilespmem:$0x1FFD0];
	_ =	sdelay $0x7  }
0x1ec: {  	[tilespmem:v3+s7+$0x0] =	vst.idx.msk $0xffff, v26;
	v3 =	vld [tilespmem:$0x1FB80];
	_ =	sdelay $0x4  }
0x1ed: {  	v0 =	vadd.f32 v17, v61;
	v61 =	vshll.u32 v3, $0x3;
	v3 =	vor.u32 $0x1, v37  }
0x1ee: {  	[tilespmem:$0x1FE60] =	vst v3;
	v3 =	vld [tilespmem:$0x1FB90];
	_ =	sdelay $0x4  }
0x1ef: {  	v12 =	vadd.f32 v3, v12;
	v15 =	vadd.f32 v3, v15;
	v3 =	vld [tilespmem:$0x1FFB0];
	_ =	sdelay $0x7  }
0x1f0: {  	[tilespmem:v3+s7+$0x0] =	vst.idx.msk $0xffff, v33;
	v3 =	vor.u32 $0x2, v37  }
0x1f1: {  	[tilespmem:$0x1FE10] =	vst v3;
	v3 =	vld [tilespmem:$0x1FBC0];
	_ =	sdelay $0x7  }
0x1f2: {  	[tilespmem:v3+s7+$0x0] =	vst.idx.msk $0xffff, v18;
	v3 =	vor.u32 $0x3, v37  }
0x1f3: {  	[tilespmem:$0x1FDD0] =	vst v3;
	v3 =	vld [tilespmem:$0x1FBF0];
	_ =	sdelay $0x7  }
0x1f4: {  	[tilespmem:v3+s7+$0x0] =	vst.idx.msk $0xffff, v50;
	v3 =	vld [tilespmem:$0x1FC10];
	_ =	sdelay $0x7  }
0x1f5: {  	[tilespmem:v3+s7+$0x0] =	vst.idx.msk $0xffff, v21;
	v3 =	vor.u32 $0x5, v37  }
0x1f6: {  	[tilespmem:$0x1FE50] =	vst v3;
	v3 =	vld [tilespmem:$0x1FC30];
	_ =	sdelay $0x6  }
0x1f7: {  	v30 =	vadd.f32 v13, v30  }
0x1f8: {  	[tilespmem:v3+s7+$0x0] =	vst.idx.msk $0xffff, v24;
	v3 =	vld [tilespmem:$0x1FFE0]  }
0x1f9: {  	v30 =	vadd.f32 v62, v30  }
0x1fa: {  	v4 =	vld [tilespmem:$0x1FB50]  }
0x1fb: {  	v7 =	vadd.f32 v17, v7;
	(erf) = vrcp.f32 v30;
	v30 =	vld [tilespmem:$0x1FC20]  }
0x1fc: {  	v2 =	vadd.f32 v39, v60;
	v39 =	vld [tilespmem:$0x1FB70]  }
0x1fd: {  	v7 =	vadd.f32 v46, v7;
	v60 =	vld [tilespmem:$0x1FBE0]  }
0x1fe: {  	v27 =	vadd.f32 v51, v27;
	v19 =	vadd.f32 v41, v19;
	v8 =	vld [tilespmem:$0x1FC00]  }
0x1ff: {  	v1 =	vadd.f32 v46, v14;
	v14 =	vadd.f32 v16, v54;
	v54 =	vld [tilespmem:$0x1FB60];
	v4 =	vshll.u32 v4, $0x3  }
0x200: {  	v47 =	vmov v16;
	v19 =	vadd.f32 v43, v19;
	v16 =	vld [tilespmem:$0x1FBB0];
	[tilespmem:v3+s7+$0x0] =	vst.idx.msk $0xffff, v38;
	v3 =	vor.u32 $0x1, v4  }
0x201: {  	v7 =	vadd.f32 v47, v7;
	(erf) = vrcp.f32 v27;
	[tilespmem:$0x1FE20] =	vst v3;
	v3 =	vld [tilespmem:$0x1FC70]  }
0x202: {  	v27 =	vadd.f32 v35, v28;
	v19 =	vadd.f32 v11, v19;
	v33 =	vld [tilespmem:$0x1FBA0]  }
0x203: {  	v35 =	vld [tilespmem:$0x1FC40];
	v2 =	vadd.f32 v42, v2;
	v20 =	vadd.f32 v8, v20  }
0x204: {  	v42 =	vld [tilespmem:$0x1FC60];
	v6 =	vadd.f32 v39, v6;
	v5 =	vadd.f32 v54, v5  }
0x205: {  	v49 =	vld [tilespmem:$0x1FC80];
	v28 =	vadd.f32 v16, v9;
	v20 =	vadd.f32 v30, v20  }
0x206: {  	v0 =	vadd.f32 v3, v0;
	v1 =	vadd.f32 v3, v1;
	v3 =	vld [tilespmem:$0x1FCB0]  }
0x207: {  	v41 =	vld [tilespmem:$0x1FCD0];
	v9 =	vor.u32 $0x2, v4;
	v29 =	vadd.f32 v60, v44;
	v26 =	vadd.f32 v33, v34  }
0x208: {  	v63 =	vld [tilespmem:$0x1FC50];
	v17 =	vpop (erf);
	[tilespmem:$0x1FF60] =	vst v9;
	v9 =	vor.u32 $0x4, v4;
	v21 =	vadd.f32 v8, v22;
	v22 =	vadd.f32 v30, v23  }
0x209: {  	[tilespmem:$0x1FF80] =	vst v9;
	v9 =	vor.u32 $0x5, v4;
	v44 =	vld [tilespmem:$0x1FC90];
	v23 =	vadd.f32 v35, v25;
	v25 =	vadd.f32 v42, v45;
	v45 =	vpop (erf)  }
0x20a: {  	v7 =	vadd.f32 v54, v7;
	[tilespmem:$0x1FF90] =	vst v9;
	v20 =	vadd.f32 v35, v20;
	v34 =	vld [tilespmem:$0x1FBD0];
	v8 =	vpop (erf)  }
0x20b: {  	v46 =	vld [tilespmem:$0x1FCC0];
	[tilespmem:$0x1FFC0] =	vst v8;
	v15 =	vadd.f32 v3, v15;
	v9 =	vadd.f32 v3, v26;
	v3 =	vor.u32 $0x1, v61  }
0x20c: {  	v12 =	vadd.f32 v33, v12;
	v8 =	vadd.f32 v49, v14;
	v14 =	vor.u32 $0x3, v4;
	[tilespmem:$0x1FFB0] =	vst v3;
	v3 =	vld [tilespmem:$0x1FCE0]  }
0x20d: {  	v43 =	vld [tilespmem:$0x1FD20];
	v7 =	vadd.f32 v39, v7;
	[tilespmem:$0x1FF70] =	vst v14;
	v14 =	vadd.f32 v10, v27;
	v10 =	vor.u32 $0x6, v4  }
0x20e: {  	v20 =	vadd.f32 v63, v20;
	v12 =	vadd.f32 v16, v12;
	[tilespmem:$0x1FFA0] =	vst v10;
	v10 =	vld [tilespmem:$0x1FCF0]  }
0x20f: {  	v5 =	vadd.f32 v44, v5;
	v18 =	vadd.f32 v34, v31;
	v38 =	vld [tilespmem:$0x1FCA0]  }
0x210: {  	v12 =	vadd.f32 v34, v12;
	v26 =	vadd.f32 v46, v28;
	v28 =	vld [tilespmem:$0x1FD00]  }
0x211: {  	v18 =	vadd.f32 v41, v18;
	v27 =	vadd.f32 v3, v29;
	v29 =	vld [tilespmem:$0x1FD10]  }
0x212: {  	v30 =	vld [tilespmem:$0x1FD50];
	v8 =	vadd.f32 v53, v8;
	v24 =	vadd.f32 v63, v36  }
0x213: {  	v11 =	vld [tilespmem:$0x1FD80];
	v21 =	vadd.f32 v10, v21;
	v10 =	vadd.f32 v10, v22  }
0x214: {  	v6 =	vadd.f32 v38, v6;
	v0 =	vadd.f32 v49, v0;
	v49 =	vld [tilespmem:$0x1FD40]  }
0x215: {  	v1 =	vadd.f32 v53, v1;
	v53 =	vld [tilespmem:$0x1FD60];
	v22 =	vadd.f32 v28, v23  }
0x216: {  	v23 =	vadd.f32 v29, v24;
	v24 =	vadd.f32 v43, v25;
	v25 =	vld [tilespmem:$0x1FD30]  }
0x217: {  	v14 =	vadd.f32 v40, v14;
	v6 =	vadd.f32 v30, v6  }
0x218: {  	v16 =	vld [tilespmem:$0x1FD70];
	v8 =	vadd.f32 v59, v8;
	v10 =	vadd.f32 v11, v10  }
0x219: {  	v6 =	vadd.f32 v55, v6;
	v5 =	vadd.f32 v49, v5  }
0x21a: {  	v15 =	vadd.f32 v46, v15;
	v9 =	vadd.f32 v52, v9  }
0x21b: {  	v18 =	vadd.f32 v53, v18;
	v2 =	vadd.f32 v25, v2;
	v25 =	vor.u32 $0x6, v61  }
0x21c: {  	v22 =	vadd.f32 v11, v22;
	v11 =	vld [tilespmem:$0x1FDA0];
	[tilespmem:$0x1FFE0] =	vst v25;
	v25 =	vadd.f32 v52, v26  }
0x21d: {  	v32 =	vor.u32 $0x2, v61;
	v26 =	vadd.f32 v16, v27;
	v27 =	vadd.f32 v44, v0;
	v0 =	vld [tilespmem:$0x1FDC0]  }
0x21e: {  	v33 =	vor.u32 $0x3, v61;
	v1 =	vadd.f32 v49, v1;
	v5 =	vadd.f32 v59, v5  }
0x21f: {  	v31 =	vor.u32 $0x4, v61;
	v21 =	vadd.f32 v28, v21;
	v28 =	vadd.f32 v53, v9;
	v9 =	vld [tilespmem:$0x1FE00]  }
0x220: {  	[tilespmem:$0x1FFD0] =	vst v61;
	v36 =	vor.u32 $0x5, v61;
	v15 =	vadd.f32 v41, v15;
	v18 =	vadd.f32 v57, v18;
	v61 =	vld [tilespmem:$0x1FD90]  }
0x221: {  	v5 =	vadd.f32 v58, v5;
	v2 =	vadd.f32 v11, v2;
	v11 =	vld [tilespmem:$0x1FDB0]  }
0x222: {  	v22 =	vadd.f32 v56, v22;
	v14 =	vadd.f32 v0, v14;
	v0 =	vld [tilespmem:$0x1FDE0]  }
0x223: {  	v63 =	vld [tilespmem:$0x1FDF0];
	v21 =	vadd.f32 v29, v21;
	v25 =	vadd.f32 v57, v25  }
0x224: {  	v26 =	vadd.f32 v13, v26;
	v2 =	vadd.f32 v9, v2  }
0x225: {  	v9 =	vadd.f32 v38, v27;
	v27 =	vadd.f32 v55, v8  }
0x226: {  	v23 =	vadd.f32 v61, v23;
	v24 =	vadd.f32 v11, v24  }
0x227: {  	v29 =	vadd.f32 v61, v10;
	v19 =	vadd.f32 v0, v19  }
0x228: {  	v10 =	vmul.f32 v17, v2;
	v0 =	vadd.f32 v63, v24;
	v24 =	vadd.f32 v30, v1;
	v1 =	vld [tilespmem:$0x1FE30]  }
0x229: {  	v34 =	vadd.f32 v13, v25;
	v2 =	vmul.f32 v17, v7;
	v7 =	vmul.f32 v17, v5;
	v5 =	vld [tilespmem:$0x1FE40]  }
0x22a: {  	v30 =	vadd.f32 v58, v6;
	v6 =	vadd.f32 v3, v15  }
0x22b: {  	s9 =	sadd.s32 $0x4, s9;
	v25 =	vadd.f32 v62, v26;
	v23 =	vadd.f32 v56, v23  }
0x22c: {  	p0 =	slt.u32 s9, $0x7C;
	v48 =	vor.u32 $0x4, v37;
	v15 =	vadd.f32 v11, v29;
	[tilespmem:$0x1FF40] =	vst v6;
	v6 =	vadd.f32 v16, v28  }
.Ltmp0:
0x22d: {  	v39 =	vld [tilespmem:$0x1FE10];
	v8 =	vmul.f32 v17, v9;
	v28 =	vadd.f32 v62, v18;
	v14 =	vadd.f32 v1, v14;
	(pc) =	sbr.rel @p0 .LBB2_2-.Ltmp0, $4  }
0x22e: {  	v41 =	vld [tilespmem:$0x1FDD0];
	v9 =	vmul.f32 v17, v24;
	v26 =	vadd.f32 v5, v19;
	v19 =	vadd.f32 v42, v20  }
0x22f: {  	v38 =	vld [tilespmem:$0x1FE20];
	v5 =	vmul.f32 v17, v30;
	v11 =	vmul.f32 v45, v14;
	v14 =	vadd.f32 v51, v23  }
0x230: {  	v50 =	vor.u32 $0x6, v37;
	v20 =	vmovc v45;
	[tilespmem:$0x1FF50] =	vst v6;
	v6 =	vmul.f32 v17, v27;
	v17 =	vadd.f32 v43, v21;
	v45 =	vld [tilespmem:$0x1FE50]  }
0x231: {  	s10 =	sadd.s32 $0x40, s10;
	v46 =	vmovc v50;
	v44 =	vmov v48;
	v1 =	vadd.f32 v60, v12;
	v12 =	vadd.f32 v63, v22;
	v23 =	vld [tilespmem:$0x1FE60];
	[tilespmem:$0x1FFF0] =	vst v14  }
0x232: {  	_ =	sdelay $0x5  }
0x233: {  	[tilespmem:v37+s7+$0x0] =	vst.idx.msk $0xffff, v10  }
0x234: {  	[tilespmem:v4+s7+$0x0] =	vst.idx.msk $0xffff, v11  }
0x235: {  	[tilespmem:v23+s7+$0x0] =	vst.idx.msk $0xffff, v2  }
0x236: {  	[tilespmem:v39+s7+$0x0] =	vst.idx.msk $0xffff, v8  }
0x237: {  	[tilespmem:v41+s7+$0x0] =	vst.idx.msk $0xffff, v9  }
0x238: {  	[tilespmem:v44+s7+$0x0] =	vst.idx.msk $0xffff, v6  }
0x239: {  	v1 =	vmul.f32 v20, v1;
	[tilespmem:v45+s7+$0x0] =	vst.idx.msk $0xffff, v7  }
0x23a: {  	[tilespmem:v46+s7+$0x0] =	vst.idx.msk $0xffff, v5  }
0x23b: {  	v2 =	vld [tilespmem:$0x1FF40];
	[tilespmem:v38+s7+$0x0] =	vst.idx.msk $0xffff, v1  }
0x23c: {  	v4 =	vld [tilespmem:$0x1FF60];
	_ =	sdelay $0x5  }
0x23d: {  	v2 =	vmul.f32 v20, v2;
	_ =	sdelay $0x1  }
0x23e: {  	v1 =	vld [tilespmem:$0x1FF50];
	[tilespmem:v4+s7+$0x0] =	vst.idx.msk $0xffff, v2  }
0x23f: {  	v4 =	vld [tilespmem:$0x1FF70];
	_ =	sdelay $0x5  }
0x240: {  	v1 =	vmul.f32 v20, v1;
	_ =	sdelay $0x1  }
0x241: {  	[tilespmem:v4+s7+$0x0] =	vst.idx.msk $0xffff, v1  }
0x242: {  	v4 =	vld [tilespmem:$0x1FF80];
	_ =	sdelay $0x5  }
0x243: {  	v3 =	vmul.f32 v20, v34;
	_ =	sdelay $0x1  }
0x244: {  	[tilespmem:v4+s7+$0x0] =	vst.idx.msk $0xffff, v3  }
0x245: {  	v5 =	vld [tilespmem:$0x1FF90];
	_ =	sdelay $0x5  }
0x246: {  	v2 =	vmul.f32 v20, v28;
	_ =	sdelay $0x1  }
0x247: {  	v4 =	vld [tilespmem:$0x1FFC0];
	[tilespmem:v5+s7+$0x0] =	vst.idx.msk $0xffff, v2  }
0x248: {  	v5 =	vld [tilespmem:$0x1FFA0];
	_ =	sdelay $0x5  }
0x249: {  	v1 =	vmul.f32 v20, v25;
	_ =	sdelay $0x1  }
0x24a: {  	[tilespmem:v5+s7+$0x0] =	vst.idx.msk $0xffff, v1  }
0x24b: {  	v5 =	vld [tilespmem:$0x1FFD0];
	_ =	sdelay $0x5  }
0x24c: {  	v3 =	vmul.f32 v4, v26;
	_ =	sdelay $0x1  }
0x24d: {  	[tilespmem:v5+s7+$0x0] =	vst.idx.msk $0xffff, v3  }
0x24e: {  	v5 =	vld [tilespmem:$0x1FFB0];
	_ =	sdelay $0x5  }
0x24f: {  	v2 =	vmul.f32 v4, v19  }
0x250: {  	v1 =	vmul.f32 v4, v17  }
0x251: {  	[tilespmem:v5+s7+$0x0] =	vst.idx.msk $0xffff, v2  }
0x252: {  	[tilespmem:v32+s7+$0x0] =	vst.idx.msk $0xffff, v1  }
0x253: {  	v1 =	vld [tilespmem:$0x1FFF0];
	_ =	sdelay $0x2  }
0x254: {  	v3 =	vmul.f32 v4, v15  }
0x255: {  	v2 =	vmul.f32 v4, v12  }
0x256: {  	[tilespmem:v33+s7+$0x0] =	vst.idx.msk $0xffff, v3;
	v1 =	vmul.f32 v4, v1  }
0x257: {  	[tilespmem:v31+s7+$0x0] =	vst.idx.msk $0xffff, v2  }
0x258: {  	[tilespmem:v36+s7+$0x0] =	vst.idx.msk $0xffff, v1  }
0x259: {  	v1 =	vld [tilespmem:$0x1FFE0];
	_ =	sdelay $0x3  }
0x25a: {  	v0 =	vadd.f32 v51, v0;
	_ =	sdelay $0x1  }
0x25b: {  	s8 =	sadd.s32 $0x1, s8;
	v0 =	vmul.f32 v4, v0  }
0x25c: {  	p0 =	sne.s32 s8, s5  }
.Ltmp1:
0x25d: {  	[tilespmem:v1+s7+$0x0] =	vst.idx.msk $0xffff, v0;
	(pc) =	sbr.rel @p0 .LBB2_1-.Ltmp1, $4  }
0x25e: {  	[hbm4b:s4+s2] =	stream.linear.scatter [tilespmem:s7], [sflag:$0x1], $0x4000, $0x38;
	[tilespmem:$0x14000] =	vst v63  }
0x25f: {  	_ =	swait.ge [sflag:s6], $0x4000  }
0x260: {  	[sflag:s6] =	ssyncset.done $0x0  }
0x261: {  	v1 =	vlaneseq.u32;
	[sflag:s6] =	ssyncadd.s32 $0xFFFFC000  }
0x262: {  	_ =	sfence.sel $0x180000  }
0x263: {  	[bflag:$0x0] =	sbarrier.arrive $0xFFFF  }
0x264: {  	p0 =	sne.s32 s1, $0x0;
	_ =	strace $0x90000047  }
0x265: {  	s0 =	sadd.s32 @!p0 $0x100000, s0;
	[bflag:$0x2] =	sbarrier.arrive $0xFFFF  }
0x266: {  	[sflag:s0] =	ssyncadd.tile.s32 @!p0 $0x1;
	_ =	shalt  }
.Lfunc_end2:
_tile_overlayer_lowered:
.L_overlay_start_2:
0x267: {  	(tag) =	ssettag $0x2  }
0x268: {  	s0 =	rddreg [dreg:$0x0];
	s2 =	stileid.u32  }
0x269: {  	s1 =	rddreg [dreg:$0x1];
	p0 =	sne.s32 s2, $0x0  }
0x26a: {  	s3 =	rddreg [dreg:$0x2];
	[bflag:$0x3] =	sbarrier.arrive $0xFFFF;
	s2 =	simm.s32 @!p0 $0x1C01  }
0x26b: {  	[timem:s3], [sflag:s2] =	dma.local @!p0 [hbm:s0], s1  }
0x26c: {  	s0 =	simm.s32 @!p0 $0x1  }
0x26d: {  	_ =	swait.ge @!p0 [sflag:s0], s1  }
0x26e: {  	s1 =	ssub.s32 @!p0 $0x0, s1;
	[sflag:s0] =	ssyncset.done @!p0 $0x0  }
0x26f: {  	[sflag:s0] =	ssyncadd.s32 @!p0 s1  }
0x270: {  	[bflag:$0x3] =	sbarrier.arrive $0xFFFF  }
0x271: {  	_ =	shalt  }

</sc_bundles>
